<compile_context>
chip_gen: v7x
topology: tpu7x:2x2x1
jax: 0.10.2.dev20260603
libtpu: 0.0.44.dev20260713+nightly
codegen_flags: <defaults>
</compile_context>

<pallas_src>
import functools

import jax
import jax.numpy as jnp
from jax import lax
from jax.experimental import pallas as pl
from jax.experimental.pallas import tpu as pltpu
from jax.experimental.pallas import tpu_sc as plsc

B, D, T = 8, 1024, 2048
K, Dc = 8192, 256
N = B * T
MT = 256
KT = 512
EPS = 1e-12


def _vq_stage1(z, w_in, b_in, codebook):
    n_tc = T // MT
    n_kc = K // KT

    def body(z_ref, win_ref, bin_ref, cb_ref, ze_ref, idx_ref, cbn_ref, cvec_ref):
        b = pl.program_id(0)
        tc = pl.program_id(1)

        @pl.when(jnp.logical_and(b == 0, tc == 0))
        def _init():
            for j in range(n_kc):
                rows = cb_ref[j * KT:(j + 1) * KT, :]
                n = jnp.sqrt(jnp.sum(rows * rows, axis=1, keepdims=True))
                rn = rows / jnp.maximum(n, EPS)
                cbn_ref[j * KT:(j + 1) * KT, :] = rn
                cvec_ref[j * KT:(j + 1) * KT, :] = jnp.sum(
                    rn * rn, axis=1, keepdims=True)

        zblk = z_ref[0]
        ze = jnp.dot(win_ref[...], zblk,
                     precision=lax.Precision.HIGHEST) + bin_ref[...]
        nsq = jnp.sum(ze * ze, axis=0, keepdims=True)
        zen = ze / jnp.maximum(jnp.sqrt(nsq), EPS)
        a = jnp.sum(zen * zen, axis=0, keepdims=True)

        best_val = jnp.full((1, MT), -jnp.inf, jnp.float32)
        best_arg = jnp.zeros((1, MT), jnp.int32)
        for i in range(n_kc):
            cc = cbn_ref[i * KT:(i + 1) * KT, :]
            cv = cvec_ref[i * KT:(i + 1) * KT, :]
            dots = jnp.dot(cc, zen)
            dist = (a - 2.0 * dots) + cv
            neg = -dist
            lm = jnp.max(neg, axis=0, keepdims=True)
            la = jnp.argmax(neg, axis=0, keepdims=True).astype(jnp.int32) + i * KT
            better = lm > best_val
            best_val = jnp.where(better, lm, best_val)
            best_arg = jnp.where(better, la, best_arg)
        idx_ref[0] = best_arg
        ze_ref[...] = ze.T

    return pl.pallas_call(
        body,
        grid=(B, n_tc),
        in_specs=[
            pl.BlockSpec((1, D, MT), lambda b, t: (b, 0, t)),
            pl.BlockSpec((Dc, D), lambda b, t: (0, 0)),
            pl.BlockSpec((Dc, 1), lambda b, t: (0, 0)),
            pl.BlockSpec((K, Dc), lambda b, t: (0, 0)),
        ],
        out_specs=[
            pl.BlockSpec((MT, Dc), lambda b, t: (b * (T // MT) + t, 0)),
            pl.BlockSpec((1, 1, MT), lambda b, t: (b, 0, t)),
        ],
        out_shape=[
            jax.ShapeDtypeStruct((N, Dc), jnp.float32),
            jax.ShapeDtypeStruct((B, 1, T), jnp.int32),
        ],
        scratch_shapes=[
            pltpu.VMEM((K, Dc), jnp.float32),
            pltpu.VMEM((K, 1), jnp.float32),
        ],
    )(z, w_in, b_in, codebook)


def _gather(codebook, idx_flat):
    info = plsc.get_sparse_core_info()
    nc, ns = info.num_cores, info.num_subcores
    nw = nc * ns
    bpw = N // nw
    ch = 128
    mesh = plsc.VectorSubcoreMesh(core_axis_name="c", subcore_axis_name="s")

    @functools.partial(
        pl.kernel,
        mesh=mesh,
        out_type=jax.ShapeDtypeStruct((N, Dc), jnp.float32),
        scratch_types=[
            pltpu.VMEM((ch,), jnp.int32),
            pltpu.VMEM((ch, Dc), jnp.float32),
            pltpu.SemaphoreType.DMA,
        ],
    )
    def gk(idx_hbm, table_hbm, out_hbm, idx_v, rows_v, sem):
        wid = lax.axis_index("s") * nc + lax.axis_index("c")
        base = wid * bpw
        for c in range(bpw // ch):
            off = base + c * ch
            pltpu.sync_copy(idx_hbm.at[pl.ds(off, ch)], idx_v)
            pltpu.async_copy(table_hbm.at[idx_v], rows_v, sem).wait()
            pltpu.sync_copy(rows_v, out_hbm.at[pl.ds(off, ch)])

    return gk(idx_flat, codebook)


def _stage3(zq_tok, ze_tok, w_out, b_out):
    n_tc = T // MT

    def body(zq_ref, ze_ref, wout_ref, bout_ref, out_ref, loss_ref):
        b = pl.program_id(0)
        tc = pl.program_id(1)
        zq = zq_ref[...]
        o = lax.dot_general(wout_ref[...], zq, (((1,), (1,)), ((), ())),
                            preferred_element_type=jnp.float32)
        out_ref[0] = o + bout_ref[...]
        diff = ze_ref[...] - zq
        s = jnp.sum(diff * diff)

        @pl.when(jnp.logical_and(b == 0, tc == 0))
        def _init():
            for i in range(B):
                loss_ref[i, 0] = 0.0

        loss_ref[b, 0] += s

    return pl.pallas_call(
        body,
        grid=(B, n_tc),
        in_specs=[
            pl.BlockSpec((MT, Dc), lambda b, t: (b * (T // MT) + t, 0)),
            pl.BlockSpec((MT, Dc), lambda b, t: (b * (T // MT) + t, 0)),
            pl.BlockSpec((D, Dc), lambda b, t: (0, 0)),
            pl.BlockSpec((D, 1), lambda b, t: (0, 0)),
        ],
        out_specs=[
            pl.BlockSpec((1, D, MT), lambda b, t: (b, 0, t)),
            pl.BlockSpec((B, 1), lambda b, t: (0, 0), memory_space=pltpu.SMEM),
        ],
        out_shape=[
            jax.ShapeDtypeStruct((B, D, T), jnp.float32),
            jax.ShapeDtypeStruct((B, 1), jnp.float32),
        ],
    )(zq_tok, ze_tok, w_out, b_out)


def kernel(z, in_proj_v, in_proj_g, in_proj_b, out_proj_v, out_proj_g, out_proj_b, codebook):
    n_in = jnp.sqrt(jnp.sum(in_proj_v * in_proj_v, axis=1, keepdims=True))
    w_in = (in_proj_g[:, None] * in_proj_v) / n_in
    n_out = jnp.sqrt(jnp.sum(out_proj_v * out_proj_v, axis=1, keepdims=True))
    w_out = (out_proj_g[:, None] * out_proj_v) / n_out

    ze_tok, idx_col = _vq_stage1(z, w_in, in_proj_b[:, None], codebook)
    idx = idx_col.reshape(B, T)
    zq_tok = _gather(codebook, idx_col.reshape(N))
    out, loss_sum = _stage3(zq_tok, ze_tok, w_out, out_proj_b[:, None])
    loss = loss_sum[:, 0] / float(Dc * T)
    return (out, loss, loss, idx)

# --- scband reference (transcript-rebuilt; emitter-appended) ---
"""Pipeline reference for scband-vector-quantize-13967233647407 (READ-ONLY COPY).

The authoritative reference and input builder live on the scoring server;
editing this copy changes nothing except your own understanding.
"""

import jax, jax.numpy as jnp
import numpy as np


def _weight_norm(v, g):
    # torch weight_norm (dim=0): W[o,:] = g[o] * v[o,:] / ||v[o,:]||_2
    norm = jnp.sqrt(jnp.sum(v * v, axis=1, keepdims=True))
    return (g[:, None] * v) / norm


def _l2_normalize(x, eps=1e-12):
    # F.normalize(p=2, dim=1): x / max(||x||, eps)
    n = jnp.sqrt(jnp.sum(x * x, axis=1, keepdims=True))
    return x / jnp.maximum(n, eps)


def setup_inputs(seed: int = 0) -> dict:
    key = jax.random.key(seed)
    ks = jax.random.split(key, 6)
    B, D, T = 8, 1024, 2048
    K, Dc = 8192, 256
    z = jax.random.normal(ks[0], (B, D, T), dtype=jnp.float32)
    # weight_norm-wrapped 1x1 Conv1d params (kernel dim squeezed): v [out,in], g=||v|| at init, bias
    in_proj_v = jax.random.normal(ks[1], (Dc, D), dtype=jnp.float32) * (1.0 / np.sqrt(D))
    in_proj_g = jnp.sqrt(jnp.sum(in_proj_v * in_proj_v, axis=1))
    in_proj_b = jnp.zeros((Dc,), dtype=jnp.float32)
    out_proj_v = jax.random.normal(ks[2], (D, Dc), dtype=jnp.float32) * (1.0 / np.sqrt(Dc))
    out_proj_g = jnp.sqrt(jnp.sum(out_proj_v * out_proj_v, axis=1))
    out_proj_b = jnp.zeros((D,), dtype=jnp.float32)
    # nn.Embedding default init: N(0, 1)
    codebook = jax.random.normal(ks[3], (K, Dc), dtype=jnp.float32)
    return {
        "z": z,
        "in_proj_v": in_proj_v, "in_proj_g": in_proj_g, "in_proj_b": in_proj_b,
        "out_proj_v": out_proj_v, "out_proj_g": out_proj_g, "out_proj_b": out_proj_b,
        "codebook": codebook,
    }


def reference(z, in_proj_v, in_proj_g, in_proj_b, out_proj_v, out_proj_g, out_proj_b, codebook):
    B, D, T = z.shape
    # in_proj: weight-normed 1x1 Conv1d (D -> Dc)
    Win = _weight_norm(in_proj_v, in_proj_g)
    z_e = jnp.einsum('oi,bit->bot', Win, z) + in_proj_b[None, :, None]  # [B, Dc, T]
    # decode_latents (eval mode: dropout p=0)
    encodings = jnp.transpose(z_e, (0, 2, 1)).reshape(B * T, -1)  # (b t) d
    enc_n = _l2_normalize(encodings)
    cb_n = _l2_normalize(codebook)
    dist = (jnp.sum(enc_n * enc_n, axis=1, keepdims=True)
            - 2.0 * (enc_n @ cb_n.T)
            + jnp.sum(cb_n * cb_n, axis=1)[None, :])  # [(B*T), K]
    indices = jnp.argmax(-dist, axis=1).reshape(B, T)  # int indices [B, T]
    z_q = jnp.transpose(jnp.take(codebook, indices, axis=0), (0, 2, 1))  # [B, Dc, T]
    commitment_loss = jnp.mean((z_e - jax.lax.stop_gradient(z_q)) ** 2, axis=(1, 2))  # [B]
    codebook_loss = jnp.mean((z_q - jax.lax.stop_gradient(z_e)) ** 2, axis=(1, 2))  # [B]
    # straight-through estimator
    z_q_st = z_e + jax.lax.stop_gradient(z_q - z_e)
    Wout = _weight_norm(out_proj_v, out_proj_g)
    out = jnp.einsum('oi,bit->bot', Wout, z_q_st) + out_proj_b[None, :, None]  # [B, D, T]
    return (out, commitment_loss, codebook_loss, indices)

if __name__ == "__main__":
    import jax
    _d = setup_inputs()
    print(jax.jit(kernel)(*tuple(_d.values())))

</pallas_src>

<mosaic_0001>
#map = affine_map<(d0, d1) -> (0)>
#map1 = affine_map<(d0, d1) -> (0, 0)>
module attributes {stable_mosaic.version = 14 : i64} {
  func.func @gk(%arg0: i32, %arg1: i32, %arg2: memref<16384xi32, #tpu.memory_space<hbm>>, %arg3: memref<8192x256xf32, #tpu.memory_space<hbm>>, %arg4: memref<16384x256xf32, #tpu.memory_space<hbm>>, %arg5: memref<128xi32, #tpu.memory_space<vmem>>, %arg6: memref<128x256xf32, #tpu.memory_space<vmem>>, %arg7: memref<!tpu.dma_semaphore, #tpu.memory_space<semaphore_mem>>) attributes {dimension_semantics = [#tpu.dimension_semantics<core_parallel>, #tpu.dimension_semantics<subcore_parallel>], iteration_bounds = array<i64: 2, 16>, scalar_prefetch = 0 : i64, scratch_operands = 3 : i64, tpu.core_type = #tpu.core_type<sc_vector_subcore>, window_params = [{transform_indices = #map}, {transform_indices = #map1}, {transform_indices = #map1}]} {
    %mul3A = arith.constant 2 : i32
    %mul3A_0 = arith.muli %arg1, %mul3A : i32
    %add3A = arith.addi %mul3A_0, %arg0 : i32
    %mul3A_1 = arith.constant 512 : i32
    %mul3A_2 = arith.muli %add3A, %mul3A_1 : i32
    %add3A_3 = arith.constant 0 : i32
    %add3A_4 = arith.addi %mul3A_2, %add3A_3 : i32
    "tpu.region"() ({
      %run_scoped3A = tpu.sem_alloc : memref<!tpu.dma_semaphore, #tpu.memory_space<semaphore_mem>>
      %dma_start3A_33 = tpu.memref_slice %arg2[%add3A_4] : memref<16384xi32, #tpu.memory_space<hbm>> -> memref<128xi32, #tpu.memory_space<hbm>>
      %dma_start3A_34 = tpu.memref_slice %arg2[%add3A_4] : memref<16384xi32, #tpu.memory_space<hbm>> -> memref<128xi32, #tpu.memory_space<hbm>>
      tpu.enqueue_dma source(%dma_start3A_34 : memref<128xi32, #tpu.memory_space<hbm>>) target(%arg5 : memref<128xi32, #tpu.memory_space<vmem>>) target_semaphore(%run_scoped3A : memref<!tpu.dma_semaphore, #tpu.memory_space<semaphore_mem>>)
      %dma_wait3A_35 = tpu.memref_slice %arg2[%add3A_4] : memref<16384xi32, #tpu.memory_space<hbm>> -> memref<128xi32, #tpu.memory_space<hbm>>
      %dma_wait3A_36 = tpu.memref_slice %arg2[%add3A_4] : memref<16384xi32, #tpu.memory_space<hbm>> -> memref<128xi32, #tpu.memory_space<hbm>>
      tpu.wait_dma2 semaphore(%run_scoped3A : memref<!tpu.dma_semaphore, #tpu.memory_space<semaphore_mem>>) src(%dma_wait3A_36 : memref<128xi32, #tpu.memory_space<hbm>>) dst(%arg5 : memref<128xi32, #tpu.memory_space<vmem>>)
      tpu.yield
    }) : () -> ()
    %dma_start3A = arith.constant 0 : i32
    %dma_start3A_5 = arith.constant 0 : i32
    %dma_start3A_6 = tpu.memref_slice %arg3[%dma_start3A, %dma_start3A_5] : memref<8192x256xf32, #tpu.memory_space<hbm>> -> memref<8192x256xf32, #tpu.memory_space<hbm>>
    tpu.enqueue_indirect_dma source(%dma_start3A_6 : memref<8192x256xf32, #tpu.memory_space<hbm>>) target(%arg6 : memref<128x256xf32, #tpu.memory_space<vmem>>) offsets(%arg5 : memref<128xi32, #tpu.memory_space<vmem>>) semaphore(%arg7 : memref<!tpu.dma_semaphore, #tpu.memory_space<semaphore_mem>>)
    %dma_wait3A = arith.constant 0 : i32
    %dma_wait3A_7 = arith.constant 0 : i32
    %dma_wait3A_8 = tpu.memref_slice %arg3[%dma_wait3A, %dma_wait3A_7] : memref<8192x256xf32, #tpu.memory_space<hbm>> -> memref<8192x256xf32, #tpu.memory_space<hbm>>
    tpu.wait_indirect_dma semaphore(%arg7 : memref<!tpu.dma_semaphore, #tpu.memory_space<semaphore_mem>>) src(%dma_wait3A_8 : memref<8192x256xf32, #tpu.memory_space<hbm>>) dst(%arg6 : memref<128x256xf32, #tpu.memory_space<vmem>>)
    "tpu.region"() ({
      %run_scoped3A = tpu.sem_alloc : memref<!tpu.dma_semaphore, #tpu.memory_space<semaphore_mem>>
      %dma_start3A_33 = arith.constant 0 : i32
      %dma_start3A_34 = tpu.memref_slice %arg4[%add3A_4, %dma_start3A_33] : memref<16384x256xf32, #tpu.memory_space<hbm>> -> memref<128x256xf32, #tpu.memory_space<hbm>>
      %dma_start3A_35 = arith.constant 0 : i32
      %dma_start3A_36 = tpu.memref_slice %arg4[%add3A_4, %dma_start3A_35] : memref<16384x256xf32, #tpu.memory_space<hbm>> -> memref<128x256xf32, #tpu.memory_space<hbm>>
      tpu.enqueue_dma source(%arg6 : memref<128x256xf32, #tpu.memory_space<vmem>>) target(%dma_start3A_36 : memref<128x256xf32, #tpu.memory_space<hbm>>) target_semaphore(%run_scoped3A : memref<!tpu.dma_semaphore, #tpu.memory_space<semaphore_mem>>)
      %dma_wait3A_37 = arith.constant 0 : i32
      %dma_wait3A_38 = tpu.memref_slice %arg4[%add3A_4, %dma_wait3A_37] : memref<16384x256xf32, #tpu.memory_space<hbm>> -> memref<128x256xf32, #tpu.memory_space<hbm>>
      %dma_wait3A_39 = arith.constant 0 : i32
      %dma_wait3A_40 = tpu.memref_slice %arg4[%add3A_4, %dma_wait3A_39] : memref<16384x256xf32, #tpu.memory_space<hbm>> -> memref<128x256xf32, #tpu.memory_space<hbm>>
      tpu.wait_dma2 semaphore(%run_scoped3A : memref<!tpu.dma_semaphore, #tpu.memory_space<semaphore_mem>>) src(%arg6 : memref<128x256xf32, #tpu.memory_space<vmem>>) dst(%dma_wait3A_40 : memref<128x256xf32, #tpu.memory_space<hbm>>)
      tpu.yield
    }) : () -> ()
    %add3A_9 = arith.constant 128 : i32
    %add3A_10 = arith.addi %mul3A_2, %add3A_9 : i32
    "tpu.region"() ({
      %run_scoped3A = tpu.sem_alloc : memref<!tpu.dma_semaphore, #tpu.memory_space<semaphore_mem>>
      %dma_start3A_33 = tpu.memref_slice %arg2[%add3A_10] : memref<16384xi32, #tpu.memory_space<hbm>> -> memref<128xi32, #tpu.memory_space<hbm>>
      %dma_start3A_34 = tpu.memref_slice %arg2[%add3A_10] : memref<16384xi32, #tpu.memory_space<hbm>> -> memref<128xi32, #tpu.memory_space<hbm>>
      tpu.enqueue_dma source(%dma_start3A_34 : memref<128xi32, #tpu.memory_space<hbm>>) target(%arg5 : memref<128xi32, #tpu.memory_space<vmem>>) target_semaphore(%run_scoped3A : memref<!tpu.dma_semaphore, #tpu.memory_space<semaphore_mem>>)
      %dma_wait3A_35 = tpu.memref_slice %arg2[%add3A_10] : memref<16384xi32, #tpu.memory_space<hbm>> -> memref<128xi32, #tpu.memory_space<hbm>>
      %dma_wait3A_36 = tpu.memref_slice %arg2[%add3A_10] : memref<16384xi32, #tpu.memory_space<hbm>> -> memref<128xi32, #tpu.memory_space<hbm>>
      tpu.wait_dma2 semaphore(%run_scoped3A : memref<!tpu.dma_semaphore, #tpu.memory_space<semaphore_mem>>) src(%dma_wait3A_36 : memref<128xi32, #tpu.memory_space<hbm>>) dst(%arg5 : memref<128xi32, #tpu.memory_space<vmem>>)
      tpu.yield
    }) : () -> ()
    %dma_start3A_11 = arith.constant 0 : i32
    %dma_start3A_12 = arith.constant 0 : i32
    %dma_start3A_13 = tpu.memref_slice %arg3[%dma_start3A_11, %dma_start3A_12] : memref<8192x256xf32, #tpu.memory_space<hbm>> -> memref<8192x256xf32, #tpu.memory_space<hbm>>
    tpu.enqueue_indirect_dma source(%dma_start3A_13 : memref<8192x256xf32, #tpu.memory_space<hbm>>) target(%arg6 : memref<128x256xf32, #tpu.memory_space<vmem>>) offsets(%arg5 : memref<128xi32, #tpu.memory_space<vmem>>) semaphore(%arg7 : memref<!tpu.dma_semaphore, #tpu.memory_space<semaphore_mem>>)
    %dma_wait3A_14 = arith.constant 0 : i32
    %dma_wait3A_15 = arith.constant 0 : i32
    %dma_wait3A_16 = tpu.memref_slice %arg3[%dma_wait3A_14, %dma_wait3A_15] : memref<8192x256xf32, #tpu.memory_space<hbm>> -> memref<8192x256xf32, #tpu.memory_space<hbm>>
    tpu.wait_indirect_dma semaphore(%arg7 : memref<!tpu.dma_semaphore, #tpu.memory_space<semaphore_mem>>) src(%dma_wait3A_16 : memref<8192x256xf32, #tpu.memory_space<hbm>>) dst(%arg6 : memref<128x256xf32, #tpu.memory_space<vmem>>)
    "tpu.region"() ({
      %run_scoped3A = tpu.sem_alloc : memref<!tpu.dma_semaphore, #tpu.memory_space<semaphore_mem>>
      %dma_start3A_33 = arith.constant 0 : i32
      %dma_start3A_34 = tpu.memref_slice %arg4[%add3A_10, %dma_start3A_33] : memref<16384x256xf32, #tpu.memory_space<hbm>> -> memref<128x256xf32, #tpu.memory_space<hbm>>
      %dma_start3A_35 = arith.constant 0 : i32
      %dma_start3A_36 = tpu.memref_slice %arg4[%add3A_10, %dma_start3A_35] : memref<16384x256xf32, #tpu.memory_space<hbm>> -> memref<128x256xf32, #tpu.memory_space<hbm>>
      tpu.enqueue_dma source(%arg6 : memref<128x256xf32, #tpu.memory_space<vmem>>) target(%dma_start3A_36 : memref<128x256xf32, #tpu.memory_space<hbm>>) target_semaphore(%run_scoped3A : memref<!tpu.dma_semaphore, #tpu.memory_space<semaphore_mem>>)
      %dma_wait3A_37 = arith.constant 0 : i32
      %dma_wait3A_38 = tpu.memref_slice %arg4[%add3A_10, %dma_wait3A_37] : memref<16384x256xf32, #tpu.memory_space<hbm>> -> memref<128x256xf32, #tpu.memory_space<hbm>>
      %dma_wait3A_39 = arith.constant 0 : i32
      %dma_wait3A_40 = tpu.memref_slice %arg4[%add3A_10, %dma_wait3A_39] : memref<16384x256xf32, #tpu.memory_space<hbm>> -> memref<128x256xf32, #tpu.memory_space<hbm>>
      tpu.wait_dma2 semaphore(%run_scoped3A : memref<!tpu.dma_semaphore, #tpu.memory_space<semaphore_mem>>) src(%arg6 : memref<128x256xf32, #tpu.memory_space<vmem>>) dst(%dma_wait3A_40 : memref<128x256xf32, #tpu.memory_space<hbm>>)
      tpu.yield
    }) : () -> ()
    %add3A_17 = arith.constant 256 : i32
    %add3A_18 = arith.addi %mul3A_2, %add3A_17 : i32
    "tpu.region"() ({
      %run_scoped3A = tpu.sem_alloc : memref<!tpu.dma_semaphore, #tpu.memory_space<semaphore_mem>>
      %dma_start3A_33 = tpu.memref_slice %arg2[%add3A_18] : memref<16384xi32, #tpu.memory_space<hbm>> -> memref<128xi32, #tpu.memory_space<hbm>>
      %dma_start3A_34 = tpu.memref_slice %arg2[%add3A_18] : memref<16384xi32, #tpu.memory_space<hbm>> -> memref<128xi32, #tpu.memory_space<hbm>>
      tpu.enqueue_dma source(%dma_start3A_34 : memref<128xi32, #tpu.memory_space<hbm>>) target(%arg5 : memref<128xi32, #tpu.memory_space<vmem>>) target_semaphore(%run_scoped3A : memref<!tpu.dma_semaphore, #tpu.memory_space<semaphore_mem>>)
      %dma_wait3A_35 = tpu.memref_slice %arg2[%add3A_18] : memref<16384xi32, #tpu.memory_space<hbm>> -> memref<128xi32, #tpu.memory_space<hbm>>
      %dma_wait3A_36 = tpu.memref_slice %arg2[%add3A_18] : memref<16384xi32, #tpu.memory_space<hbm>> -> memref<128xi32, #tpu.memory_space<hbm>>
      tpu.wait_dma2 semaphore(%run_scoped3A : memref<!tpu.dma_semaphore, #tpu.memory_space<semaphore_mem>>) src(%dma_wait3A_36 : memref<128xi32, #tpu.memory_space<hbm>>) dst(%arg5 : memref<128xi32, #tpu.memory_space<vmem>>)
      tpu.yield
    }) : () -> ()
    %dma_start3A_19 = arith.constant 0 : i32
    %dma_start3A_20 = arith.constant 0 : i32
    %dma_start3A_21 = tpu.memref_slice %arg3[%dma_start3A_19, %dma_start3A_20] : memref<8192x256xf32, #tpu.memory_space<hbm>> -> memref<8192x256xf32, #tpu.memory_space<hbm>>
    tpu.enqueue_indirect_dma source(%dma_start3A_21 : memref<8192x256xf32, #tpu.memory_space<hbm>>) target(%arg6 : memref<128x256xf32, #tpu.memory_space<vmem>>) offsets(%arg5 : memref<128xi32, #tpu.memory_space<vmem>>) semaphore(%arg7 : memref<!tpu.dma_semaphore, #tpu.memory_space<semaphore_mem>>)
    %dma_wait3A_22 = arith.constant 0 : i32
    %dma_wait3A_23 = arith.constant 0 : i32
    %dma_wait3A_24 = tpu.memref_slice %arg3[%dma_wait3A_22, %dma_wait3A_23] : memref<8192x256xf32, #tpu.memory_space<hbm>> -> memref<8192x256xf32, #tpu.memory_space<hbm>>
    tpu.wait_indirect_dma semaphore(%arg7 : memref<!tpu.dma_semaphore, #tpu.memory_space<semaphore_mem>>) src(%dma_wait3A_24 : memref<8192x256xf32, #tpu.memory_space<hbm>>) dst(%arg6 : memref<128x256xf32, #tpu.memory_space<vmem>>)
    "tpu.region"() ({
      %run_scoped3A = tpu.sem_alloc : memref<!tpu.dma_semaphore, #tpu.memory_space<semaphore_mem>>
      %dma_start3A_33 = arith.constant 0 : i32
      %dma_start3A_34 = tpu.memref_slice %arg4[%add3A_18, %dma_start3A_33] : memref<16384x256xf32, #tpu.memory_space<hbm>> -> memref<128x256xf32, #tpu.memory_space<hbm>>
      %dma_start3A_35 = arith.constant 0 : i32
      %dma_start3A_36 = tpu.memref_slice %arg4[%add3A_18, %dma_start3A_35] : memref<16384x256xf32, #tpu.memory_space<hbm>> -> memref<128x256xf32, #tpu.memory_space<hbm>>
      tpu.enqueue_dma source(%arg6 : memref<128x256xf32, #tpu.memory_space<vmem>>) target(%dma_start3A_36 : memref<128x256xf32, #tpu.memory_space<hbm>>) target_semaphore(%run_scoped3A : memref<!tpu.dma_semaphore, #tpu.memory_space<semaphore_mem>>)
      %dma_wait3A_37 = arith.constant 0 : i32
      %dma_wait3A_38 = tpu.memref_slice %arg4[%add3A_18, %dma_wait3A_37] : memref<16384x256xf32, #tpu.memory_space<hbm>> -> memref<128x256xf32, #tpu.memory_space<hbm>>
      %dma_wait3A_39 = arith.constant 0 : i32
      %dma_wait3A_40 = tpu.memref_slice %arg4[%add3A_18, %dma_wait3A_39] : memref<16384x256xf32, #tpu.memory_space<hbm>> -> memref<128x256xf32, #tpu.memory_space<hbm>>
      tpu.wait_dma2 semaphore(%run_scoped3A : memref<!tpu.dma_semaphore, #tpu.memory_space<semaphore_mem>>) src(%arg6 : memref<128x256xf32, #tpu.memory_space<vmem>>) dst(%dma_wait3A_40 : memref<128x256xf32, #tpu.memory_space<hbm>>)
      tpu.yield
    }) : () -> ()
    %add3A_25 = arith.constant 384 : i32
    %add3A_26 = arith.addi %mul3A_2, %add3A_25 : i32
    "tpu.region"() ({
      %run_scoped3A = tpu.sem_alloc : memref<!tpu.dma_semaphore, #tpu.memory_space<semaphore_mem>>
      %dma_start3A_33 = tpu.memref_slice %arg2[%add3A_26] : memref<16384xi32, #tpu.memory_space<hbm>> -> memref<128xi32, #tpu.memory_space<hbm>>
      %dma_start3A_34 = tpu.memref_slice %arg2[%add3A_26] : memref<16384xi32, #tpu.memory_space<hbm>> -> memref<128xi32, #tpu.memory_space<hbm>>
      tpu.enqueue_dma source(%dma_start3A_34 : memref<128xi32, #tpu.memory_space<hbm>>) target(%arg5 : memref<128xi32, #tpu.memory_space<vmem>>) target_semaphore(%run_scoped3A : memref<!tpu.dma_semaphore, #tpu.memory_space<semaphore_mem>>)
      %dma_wait3A_35 = tpu.memref_slice %arg2[%add3A_26] : memref<16384xi32, #tpu.memory_space<hbm>> -> memref<128xi32, #tpu.memory_space<hbm>>
      %dma_wait3A_36 = tpu.memref_slice %arg2[%add3A_26] : memref<16384xi32, #tpu.memory_space<hbm>> -> memref<128xi32, #tpu.memory_space<hbm>>
      tpu.wait_dma2 semaphore(%run_scoped3A : memref<!tpu.dma_semaphore, #tpu.memory_space<semaphore_mem>>) src(%dma_wait3A_36 : memref<128xi32, #tpu.memory_space<hbm>>) dst(%arg5 : memref<128xi32, #tpu.memory_space<vmem>>)
      tpu.yield
    }) : () -> ()
    %dma_start3A_27 = arith.constant 0 : i32
    %dma_start3A_28 = arith.constant 0 : i32
    %dma_start3A_29 = tpu.memref_slice %arg3[%dma_start3A_27, %dma_start3A_28] : memref<8192x256xf32, #tpu.memory_space<hbm>> -> memref<8192x256xf32, #tpu.memory_space<hbm>>
    tpu.enqueue_indirect_dma source(%dma_start3A_29 : memref<8192x256xf32, #tpu.memory_space<hbm>>) target(%arg6 : memref<128x256xf32, #tpu.memory_space<vmem>>) offsets(%arg5 : memref<128xi32, #tpu.memory_space<vmem>>) semaphore(%arg7 : memref<!tpu.dma_semaphore, #tpu.memory_space<semaphore_mem>>)
    %dma_wait3A_30 = arith.constant 0 : i32
    %dma_wait3A_31 = arith.constant 0 : i32
    %dma_wait3A_32 = tpu.memref_slice %arg3[%dma_wait3A_30, %dma_wait3A_31] : memref<8192x256xf32, #tpu.memory_space<hbm>> -> memref<8192x256xf32, #tpu.memory_space<hbm>>
    tpu.wait_indirect_dma semaphore(%arg7 : memref<!tpu.dma_semaphore, #tpu.memory_space<semaphore_mem>>) src(%dma_wait3A_32 : memref<8192x256xf32, #tpu.memory_space<hbm>>) dst(%arg6 : memref<128x256xf32, #tpu.memory_space<vmem>>)
    "tpu.region"() ({
      %run_scoped3A = tpu.sem_alloc : memref<!tpu.dma_semaphore, #tpu.memory_space<semaphore_mem>>
      %dma_start3A_33 = arith.constant 0 : i32
      %dma_start3A_34 = tpu.memref_slice %arg4[%add3A_26, %dma_start3A_33] : memref<16384x256xf32, #tpu.memory_space<hbm>> -> memref<128x256xf32, #tpu.memory_space<hbm>>
      %dma_start3A_35 = arith.constant 0 : i32
      %dma_start3A_36 = tpu.memref_slice %arg4[%add3A_26, %dma_start3A_35] : memref<16384x256xf32, #tpu.memory_space<hbm>> -> memref<128x256xf32, #tpu.memory_space<hbm>>
      tpu.enqueue_dma source(%arg6 : memref<128x256xf32, #tpu.memory_space<vmem>>) target(%dma_start3A_36 : memref<128x256xf32, #tpu.memory_space<hbm>>) target_semaphore(%run_scoped3A : memref<!tpu.dma_semaphore, #tpu.memory_space<semaphore_mem>>)
      %dma_wait3A_37 = arith.constant 0 : i32
      %dma_wait3A_38 = tpu.memref_slice %arg4[%add3A_26, %dma_wait3A_37] : memref<16384x256xf32, #tpu.memory_space<hbm>> -> memref<128x256xf32, #tpu.memory_space<hbm>>
      %dma_wait3A_39 = arith.constant 0 : i32
      %dma_wait3A_40 = tpu.memref_slice %arg4[%add3A_26, %dma_wait3A_39] : memref<16384x256xf32, #tpu.memory_space<hbm>> -> memref<128x256xf32, #tpu.memory_space<hbm>>
      tpu.wait_dma2 semaphore(%run_scoped3A : memref<!tpu.dma_semaphore, #tpu.memory_space<semaphore_mem>>) src(%arg6 : memref<128x256xf32, #tpu.memory_space<vmem>>) dst(%dma_wait3A_40 : memref<128x256xf32, #tpu.memory_space<hbm>>)
      tpu.yield
    }) : () -> ()
    return
  }
}

module attributes {stable_mosaic.version = 14 : i64} {
  func.func @body(%arg0: i32, %arg1: i32, %arg2: memref<1x1024x256xf32, #tpu.memory_space<vmem>>, %arg3: memref<256x1024xf32, #tpu.memory_space<vmem>>, %arg4: memref<256x1xf32, #tpu.memory_space<vmem>>, %arg5: memref<8192x256xf32, #tpu.memory_space<vmem>>, %arg6: memref<256x256xf32, #tpu.memory_space<vmem>>, %arg7: memref<1x1x256xi32, #tpu.memory_space<vmem>>, %arg8: memref<8192x256xf32, #tpu.memory_space<vmem>>, %arg9: memref<8192x1xf32, #tpu.memory_space<vmem>>) attributes {dimension_semantics = [#tpu.dimension_semantics<arbitrary>, #tpu.dimension_semantics<arbitrary>], iteration_bounds = array<i64: 8, 8>, scalar_prefetch = 0 : i64, scratch_operands = 2 : i64, tpu.core_type = #tpu.core_type<tc>, window_params = [{transform_indices = @transform_0, window_bounds = array<i64: 1, 1024, 256>}, {pipeline_mode = #tpu.pipeline_mode<synchronous>, transform_indices = @transform_1, window_bounds = array<i64: 256, 1024>}, {pipeline_mode = #tpu.pipeline_mode<synchronous>, transform_indices = @transform_2, window_bounds = array<i64: 256, 1>}, {pipeline_mode = #tpu.pipeline_mode<synchronous>, transform_indices = @transform_3, window_bounds = array<i64: 8192, 256>}, {transform_indices = @transform_4, window_bounds = array<i64: 256, 256>}, {transform_indices = @transform_5, window_bounds = array<i64: 1, 1, 256>}]} {
    %eq3A = arith.constant 0 : i32
    %eq3A_0 = arith.cmpi eq, %arg0, %eq3A : i32
    %eq3A_1 = arith.constant 0 : i32
    %eq3A_2 = arith.cmpi eq, %arg1, %eq3A_1 : i32
    %and3A = arith.andi %eq3A_0, %eq3A_2 : i1
    %convert_element_type3A = arith.extui %and3A : i1 to i32
    %cond3A = arith.constant 0 : i32
    %cond3A_3 = arith.cmpi ne, %convert_element_type3A, %cond3A : i32
    scf.if %cond3A_3 {
      %get3A_493 = arith.constant 0 : index
      %get3A_494 = arith.constant 0 : index
      %get3A_495 = vector.load %arg5[%get3A_493, %get3A_494] : memref<8192x256xf32, #tpu.memory_space<vmem>>, vector<512x256xf32>
      %mul3A_496 = arith.mulf %get3A_495, %get3A_495 : vector<512x256xf32>
      %reduce_sum3A_497 = arith.constant dense<0.000000e+00> : vector<512xf32>
      %reduce_sum3A_498 = vector.multi_reduction <add>, %mul3A_496, %reduce_sum3A_497 [1] : vector<512x256xf32> to vector<512xf32>
      %broadcast_in_dim3A_499 = vector.shape_cast %reduce_sum3A_498 : vector<512xf32> to vector<512x1xf32>
      %sqrt3A_500 = math.sqrt %broadcast_in_dim3A_499 : vector<512x1xf32>
      %max3A_501 = arith.constant 9.99999996E-13 : f32
      %max3A_502 = vector.broadcast %max3A_501 : f32 to vector<512x1xf32>
      %max3A_503 = arith.maximumf %sqrt3A_500, %max3A_502 : vector<512x1xf32>
      %div3A_504 = vector.broadcast %max3A_503 : vector<512x1xf32> to vector<512x256xf32>
      %div3A_505 = arith.divf %get3A_495, %div3A_504 : vector<512x256xf32>
      %swap3A_506 = arith.constant 0 : index
      %swap3A_507 = arith.constant 0 : index
      %swap3A_508 = vector.load %arg8[%swap3A_506, %swap3A_507] : memref<8192x256xf32, #tpu.memory_space<vmem>>, vector<512x256xf32>
      tpu.vector_store %arg8[%swap3A_506, %swap3A_507], %div3A_505 {strides = array<i32>} : memref<8192x256xf32, #tpu.memory_space<vmem>>, vector<512x256xf32>,
      %mul3A_509 = arith.mulf %div3A_505, %div3A_505 : vector<512x256xf32>
      %reduce_sum3A_510 = arith.constant dense<0.000000e+00> : vector<512xf32>
      %reduce_sum3A_511 = vector.multi_reduction <add>, %mul3A_509, %reduce_sum3A_510 [1] : vector<512x256xf32> to vector<512xf32>
      %broadcast_in_dim3A_512 = vector.shape_cast %reduce_sum3A_511 : vector<512xf32> to vector<512x1xf32>
      %swap3A_513 = arith.constant 0 : index
      %swap3A_514 = arith.constant 0 : index
      %swap3A_515 = vector.load %arg9[%swap3A_513, %swap3A_514] : memref<8192x1xf32, #tpu.memory_space<vmem>>, vector<512x1xf32>
      tpu.vector_store %arg9[%swap3A_513, %swap3A_514], %broadcast_in_dim3A_512 {strides = array<i32>} : memref<8192x1xf32, #tpu.memory_space<vmem>>, vector<512x1xf32>,
      %get3A_516 = arith.constant 512 : index
      %get3A_517 = arith.constant 0 : index
      %get3A_518 = vector.load %arg5[%get3A_516, %get3A_517] : memref<8192x256xf32, #tpu.memory_space<vmem>>, vector<512x256xf32>
      %mul3A_519 = arith.mulf %get3A_518, %get3A_518 : vector<512x256xf32>
      %reduce_sum3A_520 = arith.constant dense<0.000000e+00> : vector<512xf32>
      %reduce_sum3A_521 = vector.multi_reduction <add>, %mul3A_519, %reduce_sum3A_520 [1] : vector<512x256xf32> to vector<512xf32>
      %broadcast_in_dim3A_522 = vector.shape_cast %reduce_sum3A_521 : vector<512xf32> to vector<512x1xf32>
      %sqrt3A_523 = math.sqrt %broadcast_in_dim3A_522 : vector<512x1xf32>
      %max3A_524 = arith.constant 9.99999996E-13 : f32
      %max3A_525 = vector.broadcast %max3A_524 : f32 to vector<512x1xf32>
      %max3A_526 = arith.maximumf %sqrt3A_523, %max3A_525 : vector<512x1xf32>
      %div3A_527 = vector.broadcast %max3A_526 : vector<512x1xf32> to vector<512x256xf32>
      %div3A_528 = arith.divf %get3A_518, %div3A_527 : vector<512x256xf32>
      %swap3A_529 = arith.constant 512 : index
      %swap3A_530 = arith.constant 0 : index
      %swap3A_531 = vector.load %arg8[%swap3A_529, %swap3A_530] : memref<8192x256xf32, #tpu.memory_space<vmem>>, vector<512x256xf32>
      tpu.vector_store %arg8[%swap3A_529, %swap3A_530], %div3A_528 {strides = array<i32>} : memref<8192x256xf32, #tpu.memory_space<vmem>>, vector<512x256xf32>,
      %mul3A_532 = arith.mulf %div3A_528, %div3A_528 : vector<512x256xf32>
      %reduce_sum3A_533 = arith.constant dense<0.000000e+00> : vector<512xf32>
      %reduce_sum3A_534 = vector.multi_reduction <add>, %mul3A_532, %reduce_sum3A_533 [1] : vector<512x256xf32> to vector<512xf32>
      %broadcast_in_dim3A_535 = vector.shape_cast %reduce_sum3A_534 : vector<512xf32> to vector<512x1xf32>
      %swap3A_536 = arith.constant 512 : index
      %swap3A_537 = arith.constant 0 : index
      %swap3A_538 = vector.load %arg9[%swap3A_536, %swap3A_537] : memref<8192x1xf32, #tpu.memory_space<vmem>>, vector<512x1xf32>
      tpu.vector_store %arg9[%swap3A_536, %swap3A_537], %broadcast_in_dim3A_535 {strides = array<i32>} : memref<8192x1xf32, #tpu.memory_space<vmem>>, vector<512x1xf32>,
      %get3A_539 = arith.constant 1024 : index
      %get3A_540 = arith.constant 0 : index
      %get3A_541 = vector.load %arg5[%get3A_539, %get3A_540] : memref<8192x256xf32, #tpu.memory_space<vmem>>, vector<512x256xf32>
      %mul3A_542 = arith.mulf %get3A_541, %get3A_541 : vector<512x256xf32>
      %reduce_sum3A_543 = arith.constant dense<0.000000e+00> : vector<512xf32>
      %reduce_sum3A_544 = vector.multi_reduction <add>, %mul3A_542, %reduce_sum3A_543 [1] : vector<512x256xf32> to vector<512xf32>
      %broadcast_in_dim3A_545 = vector.shape_cast %reduce_sum3A_544 : vector<512xf32> to vector<512x1xf32>
      %sqrt3A_546 = math.sqrt %broadcast_in_dim3A_545 : vector<512x1xf32>
      %max3A_547 = arith.constant 9.99999996E-13 : f32
      %max3A_548 = vector.broadcast %max3A_547 : f32 to vector<512x1xf32>
      %max3A_549 = arith.maximumf %sqrt3A_546, %max3A_548 : vector<512x1xf32>
      %div3A_550 = vector.broadcast %max3A_549 : vector<512x1xf32> to vector<512x256xf32>
      %div3A_551 = arith.divf %get3A_541, %div3A_550 : vector<512x256xf32>
      %swap3A_552 = arith.constant 1024 : index
      %swap3A_553 = arith.constant 0 : index
      %swap3A_554 = vector.load %arg8[%swap3A_552, %swap3A_553] : memref<8192x256xf32, #tpu.memory_space<vmem>>, vector<512x256xf32>
      tpu.vector_store %arg8[%swap3A_552, %swap3A_553], %div3A_551 {strides = array<i32>} : memref<8192x256xf32, #tpu.memory_space<vmem>>, vector<512x256xf32>,
      %mul3A_555 = arith.mulf %div3A_551, %div3A_551 : vector<512x256xf32>
      %reduce_sum3A_556 = arith.constant dense<0.000000e+00> : vector<512xf32>
      %reduce_sum3A_557 = vector.multi_reduction <add>, %mul3A_555, %reduce_sum3A_556 [1] : vector<512x256xf32> to vector<512xf32>
      %broadcast_in_dim3A_558 = vector.shape_cast %reduce_sum3A_557 : vector<512xf32> to vector<512x1xf32>
      %swap3A_559 = arith.constant 1024 : index
      %swap3A_560 = arith.constant 0 : index
      %swap3A_561 = vector.load %arg9[%swap3A_559, %swap3A_560] : memref<8192x1xf32, #tpu.memory_space<vmem>>, vector<512x1xf32>
      tpu.vector_store %arg9[%swap3A_559, %swap3A_560], %broadcast_in_dim3A_558 {strides = array<i32>} : memref<8192x1xf32, #tpu.memory_space<vmem>>, vector<512x1xf32>,
      %get3A_562 = arith.constant 1536 : index
      %get3A_563 = arith.constant 0 : index
      %get3A_564 = vector.load %arg5[%get3A_562, %get3A_563] : memref<8192x256xf32, #tpu.memory_space<vmem>>, vector<512x256xf32>
      %mul3A_565 = arith.mulf %get3A_564, %get3A_564 : vector<512x256xf32>
      %reduce_sum3A_566 = arith.constant dense<0.000000e+00> : vector<512xf32>
      %reduce_sum3A_567 = vector.multi_reduction <add>, %mul3A_565, %reduce_sum3A_566 [1] : vector<512x256xf32> to vector<512xf32>
      %broadcast_in_dim3A_568 = vector.shape_cast %reduce_sum3A_567 : vector<512xf32> to vector<512x1xf32>
      %sqrt3A_569 = math.sqrt %broadcast_in_dim3A_568 : vector<512x1xf32>
      %max3A_570 = arith.constant 9.99999996E-13 : f32
      %max3A_571 = vector.broadcast %max3A_570 : f32 to vector<512x1xf32>
      %max3A_572 = arith.maximumf %sqrt3A_569, %max3A_571 : vector<512x1xf32>
      %div3A_573 = vector.broadcast %max3A_572 : vector<512x1xf32> to vector<512x256xf32>
      %div3A_574 = arith.divf %get3A_564, %div3A_573 : vector<512x256xf32>
      %swap3A_575 = arith.constant 1536 : index
      %swap3A_576 = arith.constant 0 : index
      %swap3A_577 = vector.load %arg8[%swap3A_575, %swap3A_576] : memref<8192x256xf32, #tpu.memory_space<vmem>>, vector<512x256xf32>
      tpu.vector_store %arg8[%swap3A_575, %swap3A_576], %div3A_574 {strides = array<i32>} : memref<8192x256xf32, #tpu.memory_space<vmem>>, vector<512x256xf32>,
      %mul3A_578 = arith.mulf %div3A_574, %div3A_574 : vector<512x256xf32>
      %reduce_sum3A_579 = arith.constant dense<0.000000e+00> : vector<512xf32>
      %reduce_sum3A_580 = vector.multi_reduction <add>, %mul3A_578, %reduce_sum3A_579 [1] : vector<512x256xf32> to vector<512xf32>
      %broadcast_in_dim3A_581 = vector.shape_cast %reduce_sum3A_580 : vector<512xf32> to vector<512x1xf32>
      %swap3A_582 = arith.constant 1536 : index
      %swap3A_583 = arith.constant 0 : index
      %swap3A_584 = vector.load %arg9[%swap3A_582, %swap3A_583] : memref<8192x1xf32, #tpu.memory_space<vmem>>, vector<512x1xf32>
      tpu.vector_store %arg9[%swap3A_582, %swap3A_583], %broadcast_in_dim3A_581 {strides = array<i32>} : memref<8192x1xf32, #tpu.memory_space<vmem>>, vector<512x1xf32>,
      %get3A_585 = arith.constant 2048 : index
      %get3A_586 = arith.constant 0 : index
      %get3A_587 = vector.load %arg5[%get3A_585, %get3A_586] : memref<8192x256xf32, #tpu.memory_space<vmem>>, vector<512x256xf32>
      %mul3A_588 = arith.mulf %get3A_587, %get3A_587 : vector<512x256xf32>
      %reduce_sum3A_589 = arith.constant dense<0.000000e+00> : vector<512xf32>
      %reduce_sum3A_590 = vector.multi_reduction <add>, %mul3A_588, %reduce_sum3A_589 [1] : vector<512x256xf32> to vector<512xf32>
      %broadcast_in_dim3A_591 = vector.shape_cast %reduce_sum3A_590 : vector<512xf32> to vector<512x1xf32>
      %sqrt3A_592 = math.sqrt %broadcast_in_dim3A_591 : vector<512x1xf32>
      %max3A_593 = arith.constant 9.99999996E-13 : f32
      %max3A_594 = vector.broadcast %max3A_593 : f32 to vector<512x1xf32>
      %max3A_595 = arith.maximumf %sqrt3A_592, %max3A_594 : vector<512x1xf32>
      %div3A_596 = vector.broadcast %max3A_595 : vector<512x1xf32> to vector<512x256xf32>
      %div3A_597 = arith.divf %get3A_587, %div3A_596 : vector<512x256xf32>
      %swap3A_598 = arith.constant 2048 : index
      %swap3A_599 = arith.constant 0 : index
      %swap3A_600 = vector.load %arg8[%swap3A_598, %swap3A_599] : memref<8192x256xf32, #tpu.memory_space<vmem>>, vector<512x256xf32>
      tpu.vector_store %arg8[%swap3A_598, %swap3A_599], %div3A_597 {strides = array<i32>} : memref<8192x256xf32, #tpu.memory_space<vmem>>, vector<512x256xf32>,
      %mul3A_601 = arith.mulf %div3A_597, %div3A_597 : vector<512x256xf32>
      %reduce_sum3A_602 = arith.constant dense<0.000000e+00> : vector<512xf32>
      %reduce_sum3A_603 = vector.multi_reduction <add>, %mul3A_601, %reduce_sum3A_602 [1] : vector<512x256xf32> to vector<512xf32>
      %broadcast_in_dim3A_604 = vector.shape_cast %reduce_sum3A_603 : vector<512xf32> to vector<512x1xf32>
      %swap3A_605 = arith.constant 2048 : index
      %swap3A_606 = arith.constant 0 : index
      %swap3A_607 = vector.load %arg9[%swap3A_605, %swap3A_606] : memref<8192x1xf32, #tpu.memory_space<vmem>>, vector<512x1xf32>
      tpu.vector_store %arg9[%swap3A_605, %swap3A_606], %broadcast_in_dim3A_604 {strides = array<i32>} : memref<8192x1xf32, #tpu.memory_space<vmem>>, vector<512x1xf32>,
      %get3A_608 = arith.constant 2560 : index
      %get3A_609 = arith.constant 0 : index
      %get3A_610 = vector.load %arg5[%get3A_608, %get3A_609] : memref<8192x256xf32, #tpu.memory_space<vmem>>, vector<512x256xf32>
      %mul3A_611 = arith.mulf %get3A_610, %get3A_610 : vector<512x256xf32>
      %reduce_sum3A_612 = arith.constant dense<0.000000e+00> : vector<512xf32>
      %reduce_sum3A_613 = vector.multi_reduction <add>, %mul3A_611, %reduce_sum3A_612 [1] : vector<512x256xf32> to vector<512xf32>
      %broadcast_in_dim3A_614 = vector.shape_cast %reduce_sum3A_613 : vector<512xf32> to vector<512x1xf32>
      %sqrt3A_615 = math.sqrt %broadcast_in_dim3A_614 : vector<512x1xf32>
      %max3A_616 = arith.constant 9.99999996E-13 : f32
      %max3A_617 = vector.broadcast %max3A_616 : f32 to vector<512x1xf32>
      %max3A_618 = arith.maximumf %sqrt3A_615, %max3A_617 : vector<512x1xf32>
      %div3A_619 = vector.broadcast %max3A_618 : vector<512x1xf32> to vector<512x256xf32>
      %div3A_620 = arith.divf %get3A_610, %div3A_619 : vector<512x256xf32>
      %swap3A_621 = arith.constant 2560 : index
      %swap3A_622 = arith.constant 0 : index
      %swap3A_623 = vector.load %arg8[%swap3A_621, %swap3A_622] : memref<8192x256xf32, #tpu.memory_space<vmem>>, vector<512x256xf32>
      tpu.vector_store %arg8[%swap3A_621, %swap3A_622], %div3A_620 {strides = array<i32>} : memref<8192x256xf32, #tpu.memory_space<vmem>>, vector<512x256xf32>,
      %mul3A_624 = arith.mulf %div3A_620, %div3A_620 : vector<512x256xf32>
      %reduce_sum3A_625 = arith.constant dense<0.000000e+00> : vector<512xf32>
      %reduce_sum3A_626 = vector.multi_reduction <add>, %mul3A_624, %reduce_sum3A_625 [1] : vector<512x256xf32> to vector<512xf32>
      %broadcast_in_dim3A_627 = vector.shape_cast %reduce_sum3A_626 : vector<512xf32> to vector<512x1xf32>
      %swap3A_628 = arith.constant 2560 : index
      %swap3A_629 = arith.constant 0 : index
      %swap3A_630 = vector.load %arg9[%swap3A_628, %swap3A_629] : memref<8192x1xf32, #tpu.memory_space<vmem>>, vector<512x1xf32>
      tpu.vector_store %arg9[%swap3A_628, %swap3A_629], %broadcast_in_dim3A_627 {strides = array<i32>} : memref<8192x1xf32, #tpu.memory_space<vmem>>, vector<512x1xf32>,
      %get3A_631 = arith.constant 3072 : index
      %get3A_632 = arith.constant 0 : index
      %get3A_633 = vector.load %arg5[%get3A_631, %get3A_632] : memref<8192x256xf32, #tpu.memory_space<vmem>>, vector<512x256xf32>
      %mul3A_634 = arith.mulf %get3A_633, %get3A_633 : vector<512x256xf32>
      %reduce_sum3A_635 = arith.constant dense<0.000000e+00> : vector<512xf32>
      %reduce_sum3A_636 = vector.multi_reduction <add>, %mul3A_634, %reduce_sum3A_635 [1] : vector<512x256xf32> to vector<512xf32>
      %broadcast_in_dim3A_637 = vector.shape_cast %reduce_sum3A_636 : vector<512xf32> to vector<512x1xf32>
      %sqrt3A_638 = math.sqrt %broadcast_in_dim3A_637 : vector<512x1xf32>
      %max3A_639 = arith.constant 9.99999996E-13 : f32
      %max3A_640 = vector.broadcast %max3A_639 : f32 to vector<512x1xf32>
      %max3A_641 = arith.maximumf %sqrt3A_638, %max3A_640 : vector<512x1xf32>
      %div3A_642 = vector.broadcast %max3A_641 : vector<512x1xf32> to vector<512x256xf32>
      %div3A_643 = arith.divf %get3A_633, %div3A_642 : vector<512x256xf32>
      %swap3A_644 = arith.constant 3072 : index
      %swap3A_645 = arith.constant 0 : index
      %swap3A_646 = vector.load %arg8[%swap3A_644, %swap3A_645] : memref<8192x256xf32, #tpu.memory_space<vmem>>, vector<512x256xf32>
      tpu.vector_store %arg8[%swap3A_644, %swap3A_645], %div3A_643 {strides = array<i32>} : memref<8192x256xf32, #tpu.memory_space<vmem>>, vector<512x256xf32>,
      %mul3A_647 = arith.mulf %div3A_643, %div3A_643 : vector<512x256xf32>
      %reduce_sum3A_648 = arith.constant dense<0.000000e+00> : vector<512xf32>
      %reduce_sum3A_649 = vector.multi_reduction <add>, %mul3A_647, %reduce_sum3A_648 [1] : vector<512x256xf32> to vector<512xf32>
      %broadcast_in_dim3A_650 = vector.shape_cast %reduce_sum3A_649 : vector<512xf32> to vector<512x1xf32>
      %swap3A_651 = arith.constant 3072 : index
      %swap3A_652 = arith.constant 0 : index
      %swap3A_653 = vector.load %arg9[%swap3A_651, %swap3A_652] : memref<8192x1xf32, #tpu.memory_space<vmem>>, vector<512x1xf32>
      tpu.vector_store %arg9[%swap3A_651, %swap3A_652], %broadcast_in_dim3A_650 {strides = array<i32>} : memref<8192x1xf32, #tpu.memory_space<vmem>>, vector<512x1xf32>,
      %get3A_654 = arith.constant 3584 : index
      %get3A_655 = arith.constant 0 : index
      %get3A_656 = vector.load %arg5[%get3A_654, %get3A_655] : memref<8192x256xf32, #tpu.memory_space<vmem>>, vector<512x256xf32>
      %mul3A_657 = arith.mulf %get3A_656, %get3A_656 : vector<512x256xf32>
      %reduce_sum3A_658 = arith.constant dense<0.000000e+00> : vector<512xf32>
      %reduce_sum3A_659 = vector.multi_reduction <add>, %mul3A_657, %reduce_sum3A_658 [1] : vector<512x256xf32> to vector<512xf32>
      %broadcast_in_dim3A_660 = vector.shape_cast %reduce_sum3A_659 : vector<512xf32> to vector<512x1xf32>
      %sqrt3A_661 = math.sqrt %broadcast_in_dim3A_660 : vector<512x1xf32>
      %max3A_662 = arith.constant 9.99999996E-13 : f32
      %max3A_663 = vector.broadcast %max3A_662 : f32 to vector<512x1xf32>
      %max3A_664 = arith.maximumf %sqrt3A_661, %max3A_663 : vector<512x1xf32>
      %div3A_665 = vector.broadcast %max3A_664 : vector<512x1xf32> to vector<512x256xf32>
      %div3A_666 = arith.divf %get3A_656, %div3A_665 : vector<512x256xf32>
      %swap3A_667 = arith.constant 3584 : index
      %swap3A_668 = arith.constant 0 : index
      %swap3A_669 = vector.load %arg8[%swap3A_667, %swap3A_668] : memref<8192x256xf32, #tpu.memory_space<vmem>>, vector<512x256xf32>
      tpu.vector_store %arg8[%swap3A_667, %swap3A_668], %div3A_666 {strides = array<i32>} : memref<8192x256xf32, #tpu.memory_space<vmem>>, vector<512x256xf32>,
      %mul3A_670 = arith.mulf %div3A_666, %div3A_666 : vector<512x256xf32>
      %reduce_sum3A_671 = arith.constant dense<0.000000e+00> : vector<512xf32>
      %reduce_sum3A_672 = vector.multi_reduction <add>, %mul3A_670, %reduce_sum3A_671 [1] : vector<512x256xf32> to vector<512xf32>
      %broadcast_in_dim3A_673 = vector.shape_cast %reduce_sum3A_672 : vector<512xf32> to vector<512x1xf32>
      %swap3A_674 = arith.constant 3584 : index
      %swap3A_675 = arith.constant 0 : index
      %swap3A_676 = vector.load %arg9[%swap3A_674, %swap3A_675] : memref<8192x1xf32, #tpu.memory_space<vmem>>, vector<512x1xf32>
      tpu.vector_store %arg9[%swap3A_674, %swap3A_675], %broadcast_in_dim3A_673 {strides = array<i32>} : memref<8192x1xf32, #tpu.memory_space<vmem>>, vector<512x1xf32>,
      %get3A_677 = arith.constant 4096 : index
      %get3A_678 = arith.constant 0 : index
      %get3A_679 = vector.load %arg5[%get3A_677, %get3A_678] : memref<8192x256xf32, #tpu.memory_space<vmem>>, vector<512x256xf32>
      %mul3A_680 = arith.mulf %get3A_679, %get3A_679 : vector<512x256xf32>
      %reduce_sum3A_681 = arith.constant dense<0.000000e+00> : vector<512xf32>
      %reduce_sum3A_682 = vector.multi_reduction <add>, %mul3A_680, %reduce_sum3A_681 [1] : vector<512x256xf32> to vector<512xf32>
      %broadcast_in_dim3A_683 = vector.shape_cast %reduce_sum3A_682 : vector<512xf32> to vector<512x1xf32>
      %sqrt3A_684 = math.sqrt %broadcast_in_dim3A_683 : vector<512x1xf32>
      %max3A_685 = arith.constant 9.99999996E-13 : f32
      %max3A_686 = vector.broadcast %max3A_685 : f32 to vector<512x1xf32>
      %max3A_687 = arith.maximumf %sqrt3A_684, %max3A_686 : vector<512x1xf32>
      %div3A_688 = vector.broadcast %max3A_687 : vector<512x1xf32> to vector<512x256xf32>
      %div3A_689 = arith.divf %get3A_679, %div3A_688 : vector<512x256xf32>
      %swap3A_690 = arith.constant 4096 : index
      %swap3A_691 = arith.constant 0 : index
      %swap3A_692 = vector.load %arg8[%swap3A_690, %swap3A_691] : memref<8192x256xf32, #tpu.memory_space<vmem>>, vector<512x256xf32>
      tpu.vector_store %arg8[%swap3A_690, %swap3A_691], %div3A_689 {strides = array<i32>} : memref<8192x256xf32, #tpu.memory_space<vmem>>, vector<512x256xf32>,
      %mul3A_693 = arith.mulf %div3A_689, %div3A_689 : vector<512x256xf32>
      %reduce_sum3A_694 = arith.constant dense<0.000000e+00> : vector<512xf32>
      %reduce_sum3A_695 = vector.multi_reduction <add>, %mul3A_693, %reduce_sum3A_694 [1] : vector<512x256xf32> to vector<512xf32>
      %broadcast_in_dim3A_696 = vector.shape_cast %reduce_sum3A_695 : vector<512xf32> to vector<512x1xf32>
      %swap3A_697 = arith.constant 4096 : index
      %swap3A_698 = arith.constant 0 : index
      %swap3A_699 = vector.load %arg9[%swap3A_697, %swap3A_698] : memref<8192x1xf32, #tpu.memory_space<vmem>>, vector<512x1xf32>
      tpu.vector_store %arg9[%swap3A_697, %swap3A_698], %broadcast_in_dim3A_696 {strides = array<i32>} : memref<8192x1xf32, #tpu.memory_space<vmem>>, vector<512x1xf32>,
      %get3A_700 = arith.constant 4608 : index
      %get3A_701 = arith.constant 0 : index
      %get3A_702 = vector.load %arg5[%get3A_700, %get3A_701] : memref<8192x256xf32, #tpu.memory_space<vmem>>, vector<512x256xf32>
      %mul3A_703 = arith.mulf %get3A_702, %get3A_702 : vector<512x256xf32>
      %reduce_sum3A_704 = arith.constant dense<0.000000e+00> : vector<512xf32>
      %reduce_sum3A_705 = vector.multi_reduction <add>, %mul3A_703, %reduce_sum3A_704 [1] : vector<512x256xf32> to vector<512xf32>
      %broadcast_in_dim3A_706 = vector.shape_cast %reduce_sum3A_705 : vector<512xf32> to vector<512x1xf32>
      %sqrt3A_707 = math.sqrt %broadcast_in_dim3A_706 : vector<512x1xf32>
      %max3A_708 = arith.constant 9.99999996E-13 : f32
      %max3A_709 = vector.broadcast %max3A_708 : f32 to vector<512x1xf32>
      %max3A_710 = arith.maximumf %sqrt3A_707, %max3A_709 : vector<512x1xf32>
      %div3A_711 = vector.broadcast %max3A_710 : vector<512x1xf32> to vector<512x256xf32>
      %div3A_712 = arith.divf %get3A_702, %div3A_711 : vector<512x256xf32>
      %swap3A_713 = arith.constant 4608 : index
      %swap3A_714 = arith.constant 0 : index
      %swap3A_715 = vector.load %arg8[%swap3A_713, %swap3A_714] : memref<8192x256xf32, #tpu.memory_space<vmem>>, vector<512x256xf32>
      tpu.vector_store %arg8[%swap3A_713, %swap3A_714], %div3A_712 {strides = array<i32>} : memref<8192x256xf32, #tpu.memory_space<vmem>>, vector<512x256xf32>,
      %mul3A_716 = arith.mulf %div3A_712, %div3A_712 : vector<512x256xf32>
      %reduce_sum3A_717 = arith.constant dense<0.000000e+00> : vector<512xf32>
      %reduce_sum3A_718 = vector.multi_reduction <add>, %mul3A_716, %reduce_sum3A_717 [1] : vector<512x256xf32> to vector<512xf32>
      %broadcast_in_dim3A_719 = vector.shape_cast %reduce_sum3A_718 : vector<512xf32> to vector<512x1xf32>
      %swap3A_720 = arith.constant 4608 : index
      %swap3A_721 = arith.constant 0 : index
      %swap3A_722 = vector.load %arg9[%swap3A_720, %swap3A_721] : memref<8192x1xf32, #tpu.memory_space<vmem>>, vector<512x1xf32>
      tpu.vector_store %arg9[%swap3A_720, %swap3A_721], %broadcast_in_dim3A_719 {strides = array<i32>} : memref<8192x1xf32, #tpu.memory_space<vmem>>, vector<512x1xf32>,
      %get3A_723 = arith.constant 5120 : index
      %get3A_724 = arith.constant 0 : index
      %get3A_725 = vector.load %arg5[%get3A_723, %get3A_724] : memref<8192x256xf32, #tpu.memory_space<vmem>>, vector<512x256xf32>
      %mul3A_726 = arith.mulf %get3A_725, %get3A_725 : vector<512x256xf32>
      %reduce_sum3A_727 = arith.constant dense<0.000000e+00> : vector<512xf32>
      %reduce_sum3A_728 = vector.multi_reduction <add>, %mul3A_726, %reduce_sum3A_727 [1] : vector<512x256xf32> to vector<512xf32>
      %broadcast_in_dim3A_729 = vector.shape_cast %reduce_sum3A_728 : vector<512xf32> to vector<512x1xf32>
      %sqrt3A_730 = math.sqrt %broadcast_in_dim3A_729 : vector<512x1xf32>
      %max3A_731 = arith.constant 9.99999996E-13 : f32
      %max3A_732 = vector.broadcast %max3A_731 : f32 to vector<512x1xf32>
      %max3A_733 = arith.maximumf %sqrt3A_730, %max3A_732 : vector<512x1xf32>
      %div3A_734 = vector.broadcast %max3A_733 : vector<512x1xf32> to vector<512x256xf32>
      %div3A_735 = arith.divf %get3A_725, %div3A_734 : vector<512x256xf32>
      %swap3A_736 = arith.constant 5120 : index
      %swap3A_737 = arith.constant 0 : index
      %swap3A_738 = vector.load %arg8[%swap3A_736, %swap3A_737] : memref<8192x256xf32, #tpu.memory_space<vmem>>, vector<512x256xf32>
      tpu.vector_store %arg8[%swap3A_736, %swap3A_737], %div3A_735 {strides = array<i32>} : memref<8192x256xf32, #tpu.memory_space<vmem>>, vector<512x256xf32>,
      %mul3A_739 = arith.mulf %div3A_735, %div3A_735 : vector<512x256xf32>
      %reduce_sum3A_740 = arith.constant dense<0.000000e+00> : vector<512xf32>
      %reduce_sum3A_741 = vector.multi_reduction <add>, %mul3A_739, %reduce_sum3A_740 [1] : vector<512x256xf32> to vector<512xf32>
      %broadcast_in_dim3A_742 = vector.shape_cast %reduce_sum3A_741 : vector<512xf32> to vector<512x1xf32>
      %swap3A_743 = arith.constant 5120 : index
      %swap3A_744 = arith.constant 0 : index
      %swap3A_745 = vector.load %arg9[%swap3A_743, %swap3A_744] : memref<8192x1xf32, #tpu.memory_space<vmem>>, vector<512x1xf32>
      tpu.vector_store %arg9[%swap3A_743, %swap3A_744], %broadcast_in_dim3A_742 {strides = array<i32>} : memref<8192x1xf32, #tpu.memory_space<vmem>>, vector<512x1xf32>,
      %get3A_746 = arith.constant 5632 : index
      %get3A_747 = arith.constant 0 : index
      %get3A_748 = vector.load %arg5[%get3A_746, %get3A_747] : memref<8192x256xf32, #tpu.memory_space<vmem>>, vector<512x256xf32>
      %mul3A_749 = arith.mulf %get3A_748, %get3A_748 : vector<512x256xf32>
      %reduce_sum3A_750 = arith.constant dense<0.000000e+00> : vector<512xf32>
      %reduce_sum3A_751 = vector.multi_reduction <add>, %mul3A_749, %reduce_sum3A_750 [1] : vector<512x256xf32> to vector<512xf32>
      %broadcast_in_dim3A_752 = vector.shape_cast %reduce_sum3A_751 : vector<512xf32> to vector<512x1xf32>
      %sqrt3A_753 = math.sqrt %broadcast_in_dim3A_752 : vector<512x1xf32>
      %max3A_754 = arith.constant 9.99999996E-13 : f32
      %max3A_755 = vector.broadcast %max3A_754 : f32 to vector<512x1xf32>
      %max3A_756 = arith.maximumf %sqrt3A_753, %max3A_755 : vector<512x1xf32>
      %div3A_757 = vector.broadcast %max3A_756 : vector<512x1xf32> to vector<512x256xf32>
      %div3A_758 = arith.divf %get3A_748, %div3A_757 : vector<512x256xf32>
      %swap3A_759 = arith.constant 5632 : index
      %swap3A_760 = arith.constant 0 : index
      %swap3A_761 = vector.load %arg8[%swap3A_759, %swap3A_760] : memref<8192x256xf32, #tpu.memory_space<vmem>>, vector<512x256xf32>
      tpu.vector_store %arg8[%swap3A_759, %swap3A_760], %div3A_758 {strides = array<i32>} : memref<8192x256xf32, #tpu.memory_space<vmem>>, vector<512x256xf32>,
      %mul3A_762 = arith.mulf %div3A_758, %div3A_758 : vector<512x256xf32>
      %reduce_sum3A_763 = arith.constant dense<0.000000e+00> : vector<512xf32>
      %reduce_sum3A_764 = vector.multi_reduction <add>, %mul3A_762, %reduce_sum3A_763 [1] : vector<512x256xf32> to vector<512xf32>
      %broadcast_in_dim3A_765 = vector.shape_cast %reduce_sum3A_764 : vector<512xf32> to vector<512x1xf32>
      %swap3A_766 = arith.constant 5632 : index
      %swap3A_767 = arith.constant 0 : index
      %swap3A_768 = vector.load %arg9[%swap3A_766, %swap3A_767] : memref<8192x1xf32, #tpu.memory_space<vmem>>, vector<512x1xf32>
      tpu.vector_store %arg9[%swap3A_766, %swap3A_767], %broadcast_in_dim3A_765 {strides = array<i32>} : memref<8192x1xf32, #tpu.memory_space<vmem>>, vector<512x1xf32>,
      %get3A_769 = arith.constant 6144 : index
      %get3A_770 = arith.constant 0 : index
      %get3A_771 = vector.load %arg5[%get3A_769, %get3A_770] : memref<8192x256xf32, #tpu.memory_space<vmem>>, vector<512x256xf32>
      %mul3A_772 = arith.mulf %get3A_771, %get3A_771 : vector<512x256xf32>
      %reduce_sum3A_773 = arith.constant dense<0.000000e+00> : vector<512xf32>
      %reduce_sum3A_774 = vector.multi_reduction <add>, %mul3A_772, %reduce_sum3A_773 [1] : vector<512x256xf32> to vector<512xf32>
      %broadcast_in_dim3A_775 = vector.shape_cast %reduce_sum3A_774 : vector<512xf32> to vector<512x1xf32>
      %sqrt3A_776 = math.sqrt %broadcast_in_dim3A_775 : vector<512x1xf32>
      %max3A_777 = arith.constant 9.99999996E-13 : f32
      %max3A_778 = vector.broadcast %max3A_777 : f32 to vector<512x1xf32>
      %max3A_779 = arith.maximumf %sqrt3A_776, %max3A_778 : vector<512x1xf32>
      %div3A_780 = vector.broadcast %max3A_779 : vector<512x1xf32> to vector<512x256xf32>
      %div3A_781 = arith.divf %get3A_771, %div3A_780 : vector<512x256xf32>
      %swap3A_782 = arith.constant 6144 : index
      %swap3A_783 = arith.constant 0 : index
      %swap3A_784 = vector.load %arg8[%swap3A_782, %swap3A_783] : memref<8192x256xf32, #tpu.memory_space<vmem>>, vector<512x256xf32>
      tpu.vector_store %arg8[%swap3A_782, %swap3A_783], %div3A_781 {strides = array<i32>} : memref<8192x256xf32, #tpu.memory_space<vmem>>, vector<512x256xf32>,
      %mul3A_785 = arith.mulf %div3A_781, %div3A_781 : vector<512x256xf32>
      %reduce_sum3A_786 = arith.constant dense<0.000000e+00> : vector<512xf32>
      %reduce_sum3A_787 = vector.multi_reduction <add>, %mul3A_785, %reduce_sum3A_786 [1] : vector<512x256xf32> to vector<512xf32>
      %broadcast_in_dim3A_788 = vector.shape_cast %reduce_sum3A_787 : vector<512xf32> to vector<512x1xf32>
      %swap3A_789 = arith.constant 6144 : index
      %swap3A_790 = arith.constant 0 : index
      %swap3A_791 = vector.load %arg9[%swap3A_789, %swap3A_790] : memref<8192x1xf32, #tpu.memory_space<vmem>>, vector<512x1xf32>
      tpu.vector_store %arg9[%swap3A_789, %swap3A_790], %broadcast_in_dim3A_788 {strides = array<i32>} : memref<8192x1xf32, #tpu.memory_space<vmem>>, vector<512x1xf32>,
      %get3A_792 = arith.constant 6656 : index
      %get3A_793 = arith.constant 0 : index
      %get3A_794 = vector.load %arg5[%get3A_792, %get3A_793] : memref<8192x256xf32, #tpu.memory_space<vmem>>, vector<512x256xf32>
      %mul3A_795 = arith.mulf %get3A_794, %get3A_794 : vector<512x256xf32>
      %reduce_sum3A_796 = arith.constant dense<0.000000e+00> : vector<512xf32>
      %reduce_sum3A_797 = vector.multi_reduction <add>, %mul3A_795, %reduce_sum3A_796 [1] : vector<512x256xf32> to vector<512xf32>
      %broadcast_in_dim3A_798 = vector.shape_cast %reduce_sum3A_797 : vector<512xf32> to vector<512x1xf32>
      %sqrt3A_799 = math.sqrt %broadcast_in_dim3A_798 : vector<512x1xf32>
      %max3A_800 = arith.constant 9.99999996E-13 : f32
      %max3A_801 = vector.broadcast %max3A_800 : f32 to vector<512x1xf32>
      %max3A_802 = arith.maximumf %sqrt3A_799, %max3A_801 : vector<512x1xf32>
      %div3A_803 = vector.broadcast %max3A_802 : vector<512x1xf32> to vector<512x256xf32>
      %div3A_804 = arith.divf %get3A_794, %div3A_803 : vector<512x256xf32>
      %swap3A_805 = arith.constant 6656 : index
      %swap3A_806 = arith.constant 0 : index
      %swap3A_807 = vector.load %arg8[%swap3A_805, %swap3A_806] : memref<8192x256xf32, #tpu.memory_space<vmem>>, vector<512x256xf32>
      tpu.vector_store %arg8[%swap3A_805, %swap3A_806], %div3A_804 {strides = array<i32>} : memref<8192x256xf32, #tpu.memory_space<vmem>>, vector<512x256xf32>,
      %mul3A_808 = arith.mulf %div3A_804, %div3A_804 : vector<512x256xf32>
      %reduce_sum3A_809 = arith.constant dense<0.000000e+00> : vector<512xf32>
      %reduce_sum3A_810 = vector.multi_reduction <add>, %mul3A_808, %reduce_sum3A_809 [1] : vector<512x256xf32> to vector<512xf32>
      %broadcast_in_dim3A_811 = vector.shape_cast %reduce_sum3A_810 : vector<512xf32> to vector<512x1xf32>
      %swap3A_812 = arith.constant 6656 : index
      %swap3A_813 = arith.constant 0 : index
      %swap3A_814 = vector.load %arg9[%swap3A_812, %swap3A_813] : memref<8192x1xf32, #tpu.memory_space<vmem>>, vector<512x1xf32>
      tpu.vector_store %arg9[%swap3A_812, %swap3A_813], %broadcast_in_dim3A_811 {strides = array<i32>} : memref<8192x1xf32, #tpu.memory_space<vmem>>, vector<512x1xf32>,
      %get3A_815 = arith.constant 7168 : index
      %get3A_816 = arith.constant 0 : index
      %get3A_817 = vector.load %arg5[%get3A_815, %get3A_816] : memref<8192x256xf32, #tpu.memory_space<vmem>>, vector<512x256xf32>
      %mul3A_818 = arith.mulf %get3A_817, %get3A_817 : vector<512x256xf32>
      %reduce_sum3A_819 = arith.constant dense<0.000000e+00> : vector<512xf32>
      %reduce_sum3A_820 = vector.multi_reduction <add>, %mul3A_818, %reduce_sum3A_819 [1] : vector<512x256xf32> to vector<512xf32>
      %broadcast_in_dim3A_821 = vector.shape_cast %reduce_sum3A_820 : vector<512xf32> to vector<512x1xf32>
      %sqrt3A_822 = math.sqrt %broadcast_in_dim3A_821 : vector<512x1xf32>
      %max3A_823 = arith.constant 9.99999996E-13 : f32
      %max3A_824 = vector.broadcast %max3A_823 : f32 to vector<512x1xf32>
      %max3A_825 = arith.maximumf %sqrt3A_822, %max3A_824 : vector<512x1xf32>
      %div3A_826 = vector.broadcast %max3A_825 : vector<512x1xf32> to vector<512x256xf32>
      %div3A_827 = arith.divf %get3A_817, %div3A_826 : vector<512x256xf32>
      %swap3A_828 = arith.constant 7168 : index
      %swap3A_829 = arith.constant 0 : index
      %swap3A_830 = vector.load %arg8[%swap3A_828, %swap3A_829] : memref<8192x256xf32, #tpu.memory_space<vmem>>, vector<512x256xf32>
      tpu.vector_store %arg8[%swap3A_828, %swap3A_829], %div3A_827 {strides = array<i32>} : memref<8192x256xf32, #tpu.memory_space<vmem>>, vector<512x256xf32>,
      %mul3A_831 = arith.mulf %div3A_827, %div3A_827 : vector<512x256xf32>
      %reduce_sum3A_832 = arith.constant dense<0.000000e+00> : vector<512xf32>
      %reduce_sum3A_833 = vector.multi_reduction <add>, %mul3A_831, %reduce_sum3A_832 [1] : vector<512x256xf32> to vector<512xf32>
      %broadcast_in_dim3A_834 = vector.shape_cast %reduce_sum3A_833 : vector<512xf32> to vector<512x1xf32>
      %swap3A_835 = arith.constant 7168 : index
      %swap3A_836 = arith.constant 0 : index
      %swap3A_837 = vector.load %arg9[%swap3A_835, %swap3A_836] : memref<8192x1xf32, #tpu.memory_space<vmem>>, vector<512x1xf32>
      tpu.vector_store %arg9[%swap3A_835, %swap3A_836], %broadcast_in_dim3A_834 {strides = array<i32>} : memref<8192x1xf32, #tpu.memory_space<vmem>>, vector<512x1xf32>,
      %get3A_838 = arith.constant 7680 : index
      %get3A_839 = arith.constant 0 : index
      %get3A_840 = vector.load %arg5[%get3A_838, %get3A_839] : memref<8192x256xf32, #tpu.memory_space<vmem>>, vector<512x256xf32>
      %mul3A_841 = arith.mulf %get3A_840, %get3A_840 : vector<512x256xf32>
      %reduce_sum3A_842 = arith.constant dense<0.000000e+00> : vector<512xf32>
      %reduce_sum3A_843 = vector.multi_reduction <add>, %mul3A_841, %reduce_sum3A_842 [1] : vector<512x256xf32> to vector<512xf32>
      %broadcast_in_dim3A_844 = vector.shape_cast %reduce_sum3A_843 : vector<512xf32> to vector<512x1xf32>
      %sqrt3A_845 = math.sqrt %broadcast_in_dim3A_844 : vector<512x1xf32>
      %max3A_846 = arith.constant 9.99999996E-13 : f32
      %max3A_847 = vector.broadcast %max3A_846 : f32 to vector<512x1xf32>
      %max3A_848 = arith.maximumf %sqrt3A_845, %max3A_847 : vector<512x1xf32>
      %div3A_849 = vector.broadcast %max3A_848 : vector<512x1xf32> to vector<512x256xf32>
      %div3A_850 = arith.divf %get3A_840, %div3A_849 : vector<512x256xf32>
      %swap3A_851 = arith.constant 7680 : index
      %swap3A_852 = arith.constant 0 : index
      %swap3A_853 = vector.load %arg8[%swap3A_851, %swap3A_852] : memref<8192x256xf32, #tpu.memory_space<vmem>>, vector<512x256xf32>
      tpu.vector_store %arg8[%swap3A_851, %swap3A_852], %div3A_850 {strides = array<i32>} : memref<8192x256xf32, #tpu.memory_space<vmem>>, vector<512x256xf32>,
      %mul3A_854 = arith.mulf %div3A_850, %div3A_850 : vector<512x256xf32>
      %reduce_sum3A_855 = arith.constant dense<0.000000e+00> : vector<512xf32>
      %reduce_sum3A_856 = vector.multi_reduction <add>, %mul3A_854, %reduce_sum3A_855 [1] : vector<512x256xf32> to vector<512xf32>
      %broadcast_in_dim3A_857 = vector.shape_cast %reduce_sum3A_856 : vector<512xf32> to vector<512x1xf32>
      %swap3A_858 = arith.constant 7680 : index
      %swap3A_859 = arith.constant 0 : index
      %swap3A_860 = vector.load %arg9[%swap3A_858, %swap3A_859] : memref<8192x1xf32, #tpu.memory_space<vmem>>, vector<512x1xf32>
      tpu.vector_store %arg9[%swap3A_858, %swap3A_859], %broadcast_in_dim3A_857 {strides = array<i32>} : memref<8192x1xf32, #tpu.memory_space<vmem>>, vector<512x1xf32>,
    } else {
    }
    %get3A = arith.constant 0 : index
    %get3A_4 = arith.constant 0 : index
    %get3A_5 = arith.constant 0 : index
    %get3A_6 = vector.load %arg2[%get3A, %get3A_4, %get3A_5] : memref<1x1024x256xf32, #tpu.memory_space<vmem>>, vector<1x1024x256xf32>
    %get3A_7 = vector.shape_cast %get3A_6 : vector<1x1024x256xf32> to vector<1024x256xf32>
    %get3A_8 = arith.constant 0 : index
    %get3A_9 = arith.constant 0 : index
    %get3A_10 = vector.load %arg3[%get3A_8, %get3A_9] : memref<256x1024xf32, #tpu.memory_space<vmem>>, vector<256x1024xf32>
    %dot_general3A = arith.constant dense<0.000000e+00> : vector<256x256xf32>
    %dot_general3A_11 = tpu.matmul %get3A_10, %get3A_7, %dot_general3A {dimension_numbers = #tpu.dot_dimension_numbers<[1], [0], [0], [1], [0, 0, 1, 1], [], []>, precision = #tpu.contract_precision<fp32>, transpose_lhs_hint = false} : vector<256x1024xf32>, vector<1024x256xf32>, vector<256x256xf32> -> vector<256x256xf32>
    %get3A_12 = arith.constant 0 : index
    %get3A_13 = arith.constant 0 : index
    %get3A_14 = vector.load %arg4[%get3A_12, %get3A_13] : memref<256x1xf32, #tpu.memory_space<vmem>>, vector<256x1xf32>
    %add3A = vector.broadcast %get3A_14 : vector<256x1xf32> to vector<256x256xf32>
    %add3A_15 = arith.addf %dot_general3A_11, %add3A : vector<256x256xf32>
    %mul3A = arith.mulf %add3A_15, %add3A_15 : vector<256x256xf32>
    %reduce_sum3A = arith.constant dense<0.000000e+00> : vector<256xf32>
    %reduce_sum3A_16 = vector.multi_reduction <add>, %mul3A, %reduce_sum3A [0] : vector<256x256xf32> to vector<256xf32>
    %broadcast_in_dim3A = vector.shape_cast %reduce_sum3A_16 : vector<256xf32> to vector<1x256xf32>
    %sqrt3A = math.sqrt %broadcast_in_dim3A : vector<1x256xf32>
    %max3A = arith.constant 9.99999996E-13 : f32
    %max3A_17 = vector.broadcast %max3A : f32 to vector<1x256xf32>
    %max3A_18 = arith.maximumf %sqrt3A, %max3A_17 : vector<1x256xf32>
    %div3A = vector.broadcast %max3A_18 : vector<1x256xf32> to vector<256x256xf32>
    %div3A_19 = arith.divf %add3A_15, %div3A : vector<256x256xf32>
    %mul3A_20 = arith.mulf %div3A_19, %div3A_19 : vector<256x256xf32>
    %reduce_sum3A_21 = arith.constant dense<0.000000e+00> : vector<256xf32>
    %reduce_sum3A_22 = vector.multi_reduction <add>, %mul3A_20, %reduce_sum3A_21 [0] : vector<256x256xf32> to vector<256xf32>
    %broadcast_in_dim3A_23 = vector.shape_cast %reduce_sum3A_22 : vector<256xf32> to vector<1x256xf32>
    %broadcast_in_dim3A_24 = arith.constant 0xFF800000 : f32
    %broadcast_in_dim3A_25 = vector.broadcast %broadcast_in_dim3A_24 : f32 to vector<1x256xf32>
    %broadcast_in_dim3A_26 = arith.constant 0 : i32
    %broadcast_in_dim3A_27 = vector.broadcast %broadcast_in_dim3A_26 : i32 to vector<1x256xi32>
    %get3A_28 = arith.constant 0 : index
    %get3A_29 = arith.constant 0 : index
    %get3A_30 = vector.load %arg8[%get3A_28, %get3A_29] : memref<8192x256xf32, #tpu.memory_space<vmem>>, vector<512x256xf32>
    %get3A_31 = arith.constant 0 : index
    %get3A_32 = arith.constant 0 : index
    %get3A_33 = vector.load %arg9[%get3A_31, %get3A_32] : memref<8192x1xf32, #tpu.memory_space<vmem>>, vector<512x1xf32>
    %dot_general3A_34 = arith.constant dense<0.000000e+00> : vector<512x256xf32>
    %dot_general3A_35 = tpu.matmul %get3A_30, %div3A_19, %dot_general3A_34 {dimension_numbers = #tpu.dot_dimension_numbers<[1], [0], [0], [1], [0, 0, 1, 1], [], []>, transpose_lhs_hint = false} : vector<512x256xf32>, vector<256x256xf32>, vector<512x256xf32> -> vector<512x256xf32>
    %mul3A_36 = arith.constant 2.000000e+00 : f32
    %mul3A_37 = vector.broadcast %mul3A_36 : f32 to vector<512x256xf32>
    %mul3A_38 = arith.mulf %mul3A_37, %dot_general3A_35 : vector<512x256xf32>
    %sub3A = vector.broadcast %broadcast_in_dim3A_23 : vector<1x256xf32> to vector<512x256xf32>
    %sub3A_39 = arith.subf %sub3A, %mul3A_38 : vector<512x256xf32>
    %add3A_40 = vector.broadcast %get3A_33 : vector<512x1xf32> to vector<512x256xf32>
    %add3A_41 = arith.addf %sub3A_39, %add3A_40 : vector<512x256xf32>
    %neg3A = arith.constant 0.000000e+00 : f32
    %neg3A_42 = vector.broadcast %neg3A : f32 to vector<512x256xf32>
    %neg3A_43 = arith.subf %neg3A_42, %add3A_41 : vector<512x256xf32>
    %reduce_max3A = arith.constant dense<0xFF800000> : vector<256xf32>
    %reduce_max3A_44 = vector.multi_reduction <maximumf>, %neg3A_43, %reduce_max3A [0] : vector<512x256xf32> to vector<256xf32>
    %broadcast_in_dim3A_45 = vector.shape_cast %reduce_max3A_44 : vector<256xf32> to vector<1x256xf32>
    %argmax3A = tpu.reduce_index %neg3A_43 {axis = 0 : i32, kind = #tpu.reduction_kind<arg_max>} : vector<512x256xf32> -> vector<256xi32>
    %broadcast_in_dim3A_46 = vector.shape_cast %argmax3A : vector<256xi32> to vector<1x256xi32>
    %add3A_47 = arith.constant 0 : i32
    %add3A_48 = vector.broadcast %add3A_47 : i32 to vector<1x256xi32>
    %add3A_49 = arith.addi %broadcast_in_dim3A_46, %add3A_48 : vector<1x256xi32>
    %gt3A = arith.cmpf ogt, %broadcast_in_dim3A_45, %broadcast_in_dim3A_25 : vector<1x256xf32>
    %select_n3A = arith.select %gt3A, %broadcast_in_dim3A_45, %broadcast_in_dim3A_25 : vector<1x256xi1>, vector<1x256xf32>
    %select_n3A_50 = arith.select %gt3A, %add3A_49, %broadcast_in_dim3A_27 : vector<1x256xi1>, vector<1x256xi32>
    %get3A_51 = arith.constant 512 : index
    %get3A_52 = arith.constant 0 : index
    %get3A_53 = vector.load %arg8[%get3A_51, %get3A_52] : memref<8192x256xf32, #tpu.memory_space<vmem>>, vector<512x256xf32>
    %get3A_54 = arith.constant 512 : index
    %get3A_55 = arith.constant 0 : index
    %get3A_56 = vector.load %arg9[%get3A_54, %get3A_55] : memref<8192x1xf32, #tpu.memory_space<vmem>>, vector<512x1xf32>
    %dot_general3A_57 = arith.constant dense<0.000000e+00> : vector<512x256xf32>
    %dot_general3A_58 = tpu.matmul %get3A_53, %div3A_19, %dot_general3A_57 {dimension_numbers = #tpu.dot_dimension_numbers<[1], [0], [0], [1], [0, 0, 1, 1], [], []>, transpose_lhs_hint = false} : vector<512x256xf32>, vector<256x256xf32>, vector<512x256xf32> -> vector<512x256xf32>
    %mul3A_59 = arith.constant 2.000000e+00 : f32
    %mul3A_60 = vector.broadcast %mul3A_59 : f32 to vector<512x256xf32>
    %mul3A_61 = arith.mulf %mul3A_60, %dot_general3A_58 : vector<512x256xf32>
    %sub3A_62 = vector.broadcast %broadcast_in_dim3A_23 : vector<1x256xf32> to vector<512x256xf32>
    %sub3A_63 = arith.subf %sub3A_62, %mul3A_61 : vector<512x256xf32>
    %add3A_64 = vector.broadcast %get3A_56 : vector<512x1xf32> to vector<512x256xf32>
    %add3A_65 = arith.addf %sub3A_63, %add3A_64 : vector<512x256xf32>
    %neg3A_66 = arith.constant 0.000000e+00 : f32
    %neg3A_67 = vector.broadcast %neg3A_66 : f32 to vector<512x256xf32>
    %neg3A_68 = arith.subf %neg3A_67, %add3A_65 : vector<512x256xf32>
    %reduce_max3A_69 = arith.constant dense<0xFF800000> : vector<256xf32>
    %reduce_max3A_70 = vector.multi_reduction <maximumf>, %neg3A_68, %reduce_max3A_69 [0] : vector<512x256xf32> to vector<256xf32>
    %broadcast_in_dim3A_71 = vector.shape_cast %reduce_max3A_70 : vector<256xf32> to vector<1x256xf32>
    %argmax3A_72 = tpu.reduce_index %neg3A_68 {axis = 0 : i32, kind = #tpu.reduction_kind<arg_max>} : vector<512x256xf32> -> vector<256xi32>
    %broadcast_in_dim3A_73 = vector.shape_cast %argmax3A_72 : vector<256xi32> to vector<1x256xi32>
    %add3A_74 = arith.constant 512 : i32
    %add3A_75 = vector.broadcast %add3A_74 : i32 to vector<1x256xi32>
    %add3A_76 = arith.addi %broadcast_in_dim3A_73, %add3A_75 : vector<1x256xi32>
    %gt3A_77 = arith.cmpf ogt, %broadcast_in_dim3A_71, %select_n3A : vector<1x256xf32>
    %select_n3A_78 = arith.select %gt3A_77, %broadcast_in_dim3A_71, %select_n3A : vector<1x256xi1>, vector<1x256xf32>
    %select_n3A_79 = arith.select %gt3A_77, %add3A_76, %select_n3A_50 : vector<1x256xi1>, vector<1x256xi32>
    %get3A_80 = arith.constant 1024 : index
    %get3A_81 = arith.constant 0 : index
    %get3A_82 = vector.load %arg8[%get3A_80, %get3A_81] : memref<8192x256xf32, #tpu.memory_space<vmem>>, vector<512x256xf32>
    %get3A_83 = arith.constant 1024 : index
    %get3A_84 = arith.constant 0 : index
    %get3A_85 = vector.load %arg9[%get3A_83, %get3A_84] : memref<8192x1xf32, #tpu.memory_space<vmem>>, vector<512x1xf32>
    %dot_general3A_86 = arith.constant dense<0.000000e+00> : vector<512x256xf32>
    %dot_general3A_87 = tpu.matmul %get3A_82, %div3A_19, %dot_general3A_86 {dimension_numbers = #tpu.dot_dimension_numbers<[1], [0], [0], [1], [0, 0, 1, 1], [], []>, transpose_lhs_hint = false} : vector<512x256xf32>, vector<256x256xf32>, vector<512x256xf32> -> vector<512x256xf32>
    %mul3A_88 = arith.constant 2.000000e+00 : f32
    %mul3A_89 = vector.broadcast %mul3A_88 : f32 to vector<512x256xf32>
    %mul3A_90 = arith.mulf %mul3A_89, %dot_general3A_87 : vector<512x256xf32>
    %sub3A_91 = vector.broadcast %broadcast_in_dim3A_23 : vector<1x256xf32> to vector<512x256xf32>
    %sub3A_92 = arith.subf %sub3A_91, %mul3A_90 : vector<512x256xf32>
    %add3A_93 = vector.broadcast %get3A_85 : vector<512x1xf32> to vector<512x256xf32>
    %add3A_94 = arith.addf %sub3A_92, %add3A_93 : vector<512x256xf32>
    %neg3A_95 = arith.constant 0.000000e+00 : f32
    %neg3A_96 = vector.broadcast %neg3A_95 : f32 to vector<512x256xf32>
    %neg3A_97 = arith.subf %neg3A_96, %add3A_94 : vector<512x256xf32>
    %reduce_max3A_98 = arith.constant dense<0xFF800000> : vector<256xf32>
    %reduce_max3A_99 = vector.multi_reduction <maximumf>, %neg3A_97, %reduce_max3A_98 [0] : vector<512x256xf32> to vector<256xf32>
    %broadcast_in_dim3A_100 = vector.shape_cast %reduce_max3A_99 : vector<256xf32> to vector<1x256xf32>
    %argmax3A_101 = tpu.reduce_index %neg3A_97 {axis = 0 : i32, kind = #tpu.reduction_kind<arg_max>} : vector<512x256xf32> -> vector<256xi32>
    %broadcast_in_dim3A_102 = vector.shape_cast %argmax3A_101 : vector<256xi32> to vector<1x256xi32>
    %add3A_103 = arith.constant 1024 : i32
    %add3A_104 = vector.broadcast %add3A_103 : i32 to vector<1x256xi32>
    %add3A_105 = arith.addi %broadcast_in_dim3A_102, %add3A_104 : vector<1x256xi32>
    %gt3A_106 = arith.cmpf ogt, %broadcast_in_dim3A_100, %select_n3A_78 : vector<1x256xf32>
    %select_n3A_107 = arith.select %gt3A_106, %broadcast_in_dim3A_100, %select_n3A_78 : vector<1x256xi1>, vector<1x256xf32>
    %select_n3A_108 = arith.select %gt3A_106, %add3A_105, %select_n3A_79 : vector<1x256xi1>, vector<1x256xi32>
    %get3A_109 = arith.constant 1536 : index
    %get3A_110 = arith.constant 0 : index
    %get3A_111 = vector.load %arg8[%get3A_109, %get3A_110] : memref<8192x256xf32, #tpu.memory_space<vmem>>, vector<512x256xf32>
    %get3A_112 = arith.constant 1536 : index
    %get3A_113 = arith.constant 0 : index
    %get3A_114 = vector.load %arg9[%get3A_112, %get3A_113] : memref<8192x1xf32, #tpu.memory_space<vmem>>, vector<512x1xf32>
    %dot_general3A_115 = arith.constant dense<0.000000e+00> : vector<512x256xf32>
    %dot_general3A_116 = tpu.matmul %get3A_111, %div3A_19, %dot_general3A_115 {dimension_numbers = #tpu.dot_dimension_numbers<[1], [0], [0], [1], [0, 0, 1, 1], [], []>, transpose_lhs_hint = false} : vector<512x256xf32>, vector<256x256xf32>, vector<512x256xf32> -> vector<512x256xf32>
    %mul3A_117 = arith.constant 2.000000e+00 : f32
    %mul3A_118 = vector.broadcast %mul3A_117 : f32 to vector<512x256xf32>
    %mul3A_119 = arith.mulf %mul3A_118, %dot_general3A_116 : vector<512x256xf32>
    %sub3A_120 = vector.broadcast %broadcast_in_dim3A_23 : vector<1x256xf32> to vector<512x256xf32>
    %sub3A_121 = arith.subf %sub3A_120, %mul3A_119 : vector<512x256xf32>
    %add3A_122 = vector.broadcast %get3A_114 : vector<512x1xf32> to vector<512x256xf32>
    %add3A_123 = arith.addf %sub3A_121, %add3A_122 : vector<512x256xf32>
    %neg3A_124 = arith.constant 0.000000e+00 : f32
    %neg3A_125 = vector.broadcast %neg3A_124 : f32 to vector<512x256xf32>
    %neg3A_126 = arith.subf %neg3A_125, %add3A_123 : vector<512x256xf32>
    %reduce_max3A_127 = arith.constant dense<0xFF800000> : vector<256xf32>
    %reduce_max3A_128 = vector.multi_reduction <maximumf>, %neg3A_126, %reduce_max3A_127 [0] : vector<512x256xf32> to vector<256xf32>
    %broadcast_in_dim3A_129 = vector.shape_cast %reduce_max3A_128 : vector<256xf32> to vector<1x256xf32>
    %argmax3A_130 = tpu.reduce_index %neg3A_126 {axis = 0 : i32, kind = #tpu.reduction_kind<arg_max>} : vector<512x256xf32> -> vector<256xi32>
    %broadcast_in_dim3A_131 = vector.shape_cast %argmax3A_130 : vector<256xi32> to vector<1x256xi32>
    %add3A_132 = arith.constant 1536 : i32
    %add3A_133 = vector.broadcast %add3A_132 : i32 to vector<1x256xi32>
    %add3A_134 = arith.addi %broadcast_in_dim3A_131, %add3A_133 : vector<1x256xi32>
    %gt3A_135 = arith.cmpf ogt, %broadcast_in_dim3A_129, %select_n3A_107 : vector<1x256xf32>
    %select_n3A_136 = arith.select %gt3A_135, %broadcast_in_dim3A_129, %select_n3A_107 : vector<1x256xi1>, vector<1x256xf32>
    %select_n3A_137 = arith.select %gt3A_135, %add3A_134, %select_n3A_108 : vector<1x256xi1>, vector<1x256xi32>
    %get3A_138 = arith.constant 2048 : index
    %get3A_139 = arith.constant 0 : index
    %get3A_140 = vector.load %arg8[%get3A_138, %get3A_139] : memref<8192x256xf32, #tpu.memory_space<vmem>>, vector<512x256xf32>
    %get3A_141 = arith.constant 2048 : index
    %get3A_142 = arith.constant 0 : index
    %get3A_143 = vector.load %arg9[%get3A_141, %get3A_142] : memref<8192x1xf32, #tpu.memory_space<vmem>>, vector<512x1xf32>
    %dot_general3A_144 = arith.constant dense<0.000000e+00> : vector<512x256xf32>
    %dot_general3A_145 = tpu.matmul %get3A_140, %div3A_19, %dot_general3A_144 {dimension_numbers = #tpu.dot_dimension_numbers<[1], [0], [0], [1], [0, 0, 1, 1], [], []>, transpose_lhs_hint = false} : vector<512x256xf32>, vector<256x256xf32>, vector<512x256xf32> -> vector<512x256xf32>
    %mul3A_146 = arith.constant 2.000000e+00 : f32
    %mul3A_147 = vector.broadcast %mul3A_146 : f32 to vector<512x256xf32>
    %mul3A_148 = arith.mulf %mul3A_147, %dot_general3A_145 : vector<512x256xf32>
    %sub3A_149 = vector.broadcast %broadcast_in_dim3A_23 : vector<1x256xf32> to vector<512x256xf32>
    %sub3A_150 = arith.subf %sub3A_149, %mul3A_148 : vector<512x256xf32>
    %add3A_151 = vector.broadcast %get3A_143 : vector<512x1xf32> to vector<512x256xf32>
    %add3A_152 = arith.addf %sub3A_150, %add3A_151 : vector<512x256xf32>
    %neg3A_153 = arith.constant 0.000000e+00 : f32
    %neg3A_154 = vector.broadcast %neg3A_153 : f32 to vector<512x256xf32>
    %neg3A_155 = arith.subf %neg3A_154, %add3A_152 : vector<512x256xf32>
    %reduce_max3A_156 = arith.constant dense<0xFF800000> : vector<256xf32>
    %reduce_max3A_157 = vector.multi_reduction <maximumf>, %neg3A_155, %reduce_max3A_156 [0] : vector<512x256xf32> to vector<256xf32>
    %broadcast_in_dim3A_158 = vector.shape_cast %reduce_max3A_157 : vector<256xf32> to vector<1x256xf32>
    %argmax3A_159 = tpu.reduce_index %neg3A_155 {axis = 0 : i32, kind = #tpu.reduction_kind<arg_max>} : vector<512x256xf32> -> vector<256xi32>
    %broadcast_in_dim3A_160 = vector.shape_cast %argmax3A_159 : vector<256xi32> to vector<1x256xi32>
    %add3A_161 = arith.constant 2048 : i32
    %add3A_162 = vector.broadcast %add3A_161 : i32 to vector<1x256xi32>
    %add3A_163 = arith.addi %broadcast_in_dim3A_160, %add3A_162 : vector<1x256xi32>
    %gt3A_164 = arith.cmpf ogt, %broadcast_in_dim3A_158, %select_n3A_136 : vector<1x256xf32>
    %select_n3A_165 = arith.select %gt3A_164, %broadcast_in_dim3A_158, %select_n3A_136 : vector<1x256xi1>, vector<1x256xf32>
    %select_n3A_166 = arith.select %gt3A_164, %add3A_163, %select_n3A_137 : vector<1x256xi1>, vector<1x256xi32>
    %get3A_167 = arith.constant 2560 : index
    %get3A_168 = arith.constant 0 : index
    %get3A_169 = vector.load %arg8[%get3A_167, %get3A_168] : memref<8192x256xf32, #tpu.memory_space<vmem>>, vector<512x256xf32>
    %get3A_170 = arith.constant 2560 : index
    %get3A_171 = arith.constant 0 : index
    %get3A_172 = vector.load %arg9[%get3A_170, %get3A_171] : memref<8192x1xf32, #tpu.memory_space<vmem>>, vector<512x1xf32>
    %dot_general3A_173 = arith.constant dense<0.000000e+00> : vector<512x256xf32>
    %dot_general3A_174 = tpu.matmul %get3A_169, %div3A_19, %dot_general3A_173 {dimension_numbers = #tpu.dot_dimension_numbers<[1], [0], [0], [1], [0, 0, 1, 1], [], []>, transpose_lhs_hint = false} : vector<512x256xf32>, vector<256x256xf32>, vector<512x256xf32> -> vector<512x256xf32>
    %mul3A_175 = arith.constant 2.000000e+00 : f32
    %mul3A_176 = vector.broadcast %mul3A_175 : f32 to vector<512x256xf32>
    %mul3A_177 = arith.mulf %mul3A_176, %dot_general3A_174 : vector<512x256xf32>
    %sub3A_178 = vector.broadcast %broadcast_in_dim3A_23 : vector<1x256xf32> to vector<512x256xf32>
    %sub3A_179 = arith.subf %sub3A_178, %mul3A_177 : vector<512x256xf32>
    %add3A_180 = vector.broadcast %get3A_172 : vector<512x1xf32> to vector<512x256xf32>
    %add3A_181 = arith.addf %sub3A_179, %add3A_180 : vector<512x256xf32>
    %neg3A_182 = arith.constant 0.000000e+00 : f32
    %neg3A_183 = vector.broadcast %neg3A_182 : f32 to vector<512x256xf32>
    %neg3A_184 = arith.subf %neg3A_183, %add3A_181 : vector<512x256xf32>
    %reduce_max3A_185 = arith.constant dense<0xFF800000> : vector<256xf32>
    %reduce_max3A_186 = vector.multi_reduction <maximumf>, %neg3A_184, %reduce_max3A_185 [0] : vector<512x256xf32> to vector<256xf32>
    %broadcast_in_dim3A_187 = vector.shape_cast %reduce_max3A_186 : vector<256xf32> to vector<1x256xf32>
    %argmax3A_188 = tpu.reduce_index %neg3A_184 {axis = 0 : i32, kind = #tpu.reduction_kind<arg_max>} : vector<512x256xf32> -> vector<256xi32>
    %broadcast_in_dim3A_189 = vector.shape_cast %argmax3A_188 : vector<256xi32> to vector<1x256xi32>
    %add3A_190 = arith.constant 2560 : i32
    %add3A_191 = vector.broadcast %add3A_190 : i32 to vector<1x256xi32>
    %add3A_192 = arith.addi %broadcast_in_dim3A_189, %add3A_191 : vector<1x256xi32>
    %gt3A_193 = arith.cmpf ogt, %broadcast_in_dim3A_187, %select_n3A_165 : vector<1x256xf32>
    %select_n3A_194 = arith.select %gt3A_193, %broadcast_in_dim3A_187, %select_n3A_165 : vector<1x256xi1>, vector<1x256xf32>
    %select_n3A_195 = arith.select %gt3A_193, %add3A_192, %select_n3A_166 : vector<1x256xi1>, vector<1x256xi32>
    %get3A_196 = arith.constant 3072 : index
    %get3A_197 = arith.constant 0 : index
    %get3A_198 = vector.load %arg8[%get3A_196, %get3A_197] : memref<8192x256xf32, #tpu.memory_space<vmem>>, vector<512x256xf32>
    %get3A_199 = arith.constant 3072 : index
    %get3A_200 = arith.constant 0 : index
    %get3A_201 = vector.load %arg9[%get3A_199, %get3A_200] : memref<8192x1xf32, #tpu.memory_space<vmem>>, vector<512x1xf32>
    %dot_general3A_202 = arith.constant dense<0.000000e+00> : vector<512x256xf32>
    %dot_general3A_203 = tpu.matmul %get3A_198, %div3A_19, %dot_general3A_202 {dimension_numbers = #tpu.dot_dimension_numbers<[1], [0], [0], [1], [0, 0, 1, 1], [], []>, transpose_lhs_hint = false} : vector<512x256xf32>, vector<256x256xf32>, vector<512x256xf32> -> vector<512x256xf32>
    %mul3A_204 = arith.constant 2.000000e+00 : f32
    %mul3A_205 = vector.broadcast %mul3A_204 : f32 to vector<512x256xf32>
    %mul3A_206 = arith.mulf %mul3A_205, %dot_general3A_203 : vector<512x256xf32>
    %sub3A_207 = vector.broadcast %broadcast_in_dim3A_23 : vector<1x256xf32> to vector<512x256xf32>
    %sub3A_208 = arith.subf %sub3A_207, %mul3A_206 : vector<512x256xf32>
    %add3A_209 = vector.broadcast %get3A_201 : vector<512x1xf32> to vector<512x256xf32>
    %add3A_210 = arith.addf %sub3A_208, %add3A_209 : vector<512x256xf32>
    %neg3A_211 = arith.constant 0.000000e+00 : f32
    %neg3A_212 = vector.broadcast %neg3A_211 : f32 to vector<512x256xf32>
    %neg3A_213 = arith.subf %neg3A_212, %add3A_210 : vector<512x256xf32>
    %reduce_max3A_214 = arith.constant dense<0xFF800000> : vector<256xf32>
    %reduce_max3A_215 = vector.multi_reduction <maximumf>, %neg3A_213, %reduce_max3A_214 [0] : vector<512x256xf32> to vector<256xf32>
    %broadcast_in_dim3A_216 = vector.shape_cast %reduce_max3A_215 : vector<256xf32> to vector<1x256xf32>
    %argmax3A_217 = tpu.reduce_index %neg3A_213 {axis = 0 : i32, kind = #tpu.reduction_kind<arg_max>} : vector<512x256xf32> -> vector<256xi32>
    %broadcast_in_dim3A_218 = vector.shape_cast %argmax3A_217 : vector<256xi32> to vector<1x256xi32>
    %add3A_219 = arith.constant 3072 : i32
    %add3A_220 = vector.broadcast %add3A_219 : i32 to vector<1x256xi32>
    %add3A_221 = arith.addi %broadcast_in_dim3A_218, %add3A_220 : vector<1x256xi32>
    %gt3A_222 = arith.cmpf ogt, %broadcast_in_dim3A_216, %select_n3A_194 : vector<1x256xf32>
    %select_n3A_223 = arith.select %gt3A_222, %broadcast_in_dim3A_216, %select_n3A_194 : vector<1x256xi1>, vector<1x256xf32>
    %select_n3A_224 = arith.select %gt3A_222, %add3A_221, %select_n3A_195 : vector<1x256xi1>, vector<1x256xi32>
    %get3A_225 = arith.constant 3584 : index
    %get3A_226 = arith.constant 0 : index
    %get3A_227 = vector.load %arg8[%get3A_225, %get3A_226] : memref<8192x256xf32, #tpu.memory_space<vmem>>, vector<512x256xf32>
    %get3A_228 = arith.constant 3584 : index
    %get3A_229 = arith.constant 0 : index
    %get3A_230 = vector.load %arg9[%get3A_228, %get3A_229] : memref<8192x1xf32, #tpu.memory_space<vmem>>, vector<512x1xf32>
    %dot_general3A_231 = arith.constant dense<0.000000e+00> : vector<512x256xf32>
    %dot_general3A_232 = tpu.matmul %get3A_227, %div3A_19, %dot_general3A_231 {dimension_numbers = #tpu.dot_dimension_numbers<[1], [0], [0], [1], [0, 0, 1, 1], [], []>, transpose_lhs_hint = false} : vector<512x256xf32>, vector<256x256xf32>, vector<512x256xf32> -> vector<512x256xf32>
    %mul3A_233 = arith.constant 2.000000e+00 : f32
    %mul3A_234 = vector.broadcast %mul3A_233 : f32 to vector<512x256xf32>
    %mul3A_235 = arith.mulf %mul3A_234, %dot_general3A_232 : vector<512x256xf32>
    %sub3A_236 = vector.broadcast %broadcast_in_dim3A_23 : vector<1x256xf32> to vector<512x256xf32>
    %sub3A_237 = arith.subf %sub3A_236, %mul3A_235 : vector<512x256xf32>
    %add3A_238 = vector.broadcast %get3A_230 : vector<512x1xf32> to vector<512x256xf32>
    %add3A_239 = arith.addf %sub3A_237, %add3A_238 : vector<512x256xf32>
    %neg3A_240 = arith.constant 0.000000e+00 : f32
    %neg3A_241 = vector.broadcast %neg3A_240 : f32 to vector<512x256xf32>
    %neg3A_242 = arith.subf %neg3A_241, %add3A_239 : vector<512x256xf32>
    %reduce_max3A_243 = arith.constant dense<0xFF800000> : vector<256xf32>
    %reduce_max3A_244 = vector.multi_reduction <maximumf>, %neg3A_242, %reduce_max3A_243 [0] : vector<512x256xf32> to vector<256xf32>
    %broadcast_in_dim3A_245 = vector.shape_cast %reduce_max3A_244 : vector<256xf32> to vector<1x256xf32>
    %argmax3A_246 = tpu.reduce_index %neg3A_242 {axis = 0 : i32, kind = #tpu.reduction_kind<arg_max>} : vector<512x256xf32> -> vector<256xi32>
    %broadcast_in_dim3A_247 = vector.shape_cast %argmax3A_246 : vector<256xi32> to vector<1x256xi32>
    %add3A_248 = arith.constant 3584 : i32
    %add3A_249 = vector.broadcast %add3A_248 : i32 to vector<1x256xi32>
    %add3A_250 = arith.addi %broadcast_in_dim3A_247, %add3A_249 : vector<1x256xi32>
    %gt3A_251 = arith.cmpf ogt, %broadcast_in_dim3A_245, %select_n3A_223 : vector<1x256xf32>
    %select_n3A_252 = arith.select %gt3A_251, %broadcast_in_dim3A_245, %select_n3A_223 : vector<1x256xi1>, vector<1x256xf32>
    %select_n3A_253 = arith.select %gt3A_251, %add3A_250, %select_n3A_224 : vector<1x256xi1>, vector<1x256xi32>
    %get3A_254 = arith.constant 4096 : index
    %get3A_255 = arith.constant 0 : index
    %get3A_256 = vector.load %arg8[%get3A_254, %get3A_255] : memref<8192x256xf32, #tpu.memory_space<vmem>>, vector<512x256xf32>
    %get3A_257 = arith.constant 4096 : index
    %get3A_258 = arith.constant 0 : index
    %get3A_259 = vector.load %arg9[%get3A_257, %get3A_258] : memref<8192x1xf32, #tpu.memory_space<vmem>>, vector<512x1xf32>
    %dot_general3A_260 = arith.constant dense<0.000000e+00> : vector<512x256xf32>
    %dot_general3A_261 = tpu.matmul %get3A_256, %div3A_19, %dot_general3A_260 {dimension_numbers = #tpu.dot_dimension_numbers<[1], [0], [0], [1], [0, 0, 1, 1], [], []>, transpose_lhs_hint = false} : vector<512x256xf32>, vector<256x256xf32>, vector<512x256xf32> -> vector<512x256xf32>
    %mul3A_262 = arith.constant 2.000000e+00 : f32
    %mul3A_263 = vector.broadcast %mul3A_262 : f32 to vector<512x256xf32>
    %mul3A_264 = arith.mulf %mul3A_263, %dot_general3A_261 : vector<512x256xf32>
    %sub3A_265 = vector.broadcast %broadcast_in_dim3A_23 : vector<1x256xf32> to vector<512x256xf32>
    %sub3A_266 = arith.subf %sub3A_265, %mul3A_264 : vector<512x256xf32>
    %add3A_267 = vector.broadcast %get3A_259 : vector<512x1xf32> to vector<512x256xf32>
    %add3A_268 = arith.addf %sub3A_266, %add3A_267 : vector<512x256xf32>
    %neg3A_269 = arith.constant 0.000000e+00 : f32
    %neg3A_270 = vector.broadcast %neg3A_269 : f32 to vector<512x256xf32>
    %neg3A_271 = arith.subf %neg3A_270, %add3A_268 : vector<512x256xf32>
    %reduce_max3A_272 = arith.constant dense<0xFF800000> : vector<256xf32>
    %reduce_max3A_273 = vector.multi_reduction <maximumf>, %neg3A_271, %reduce_max3A_272 [0] : vector<512x256xf32> to vector<256xf32>
    %broadcast_in_dim3A_274 = vector.shape_cast %reduce_max3A_273 : vector<256xf32> to vector<1x256xf32>
    %argmax3A_275 = tpu.reduce_index %neg3A_271 {axis = 0 : i32, kind = #tpu.reduction_kind<arg_max>} : vector<512x256xf32> -> vector<256xi32>
    %broadcast_in_dim3A_276 = vector.shape_cast %argmax3A_275 : vector<256xi32> to vector<1x256xi32>
    %add3A_277 = arith.constant 4096 : i32
    %add3A_278 = vector.broadcast %add3A_277 : i32 to vector<1x256xi32>
    %add3A_279 = arith.addi %broadcast_in_dim3A_276, %add3A_278 : vector<1x256xi32>
    %gt3A_280 = arith.cmpf ogt, %broadcast_in_dim3A_274, %select_n3A_252 : vector<1x256xf32>
    %select_n3A_281 = arith.select %gt3A_280, %broadcast_in_dim3A_274, %select_n3A_252 : vector<1x256xi1>, vector<1x256xf32>
    %select_n3A_282 = arith.select %gt3A_280, %add3A_279, %select_n3A_253 : vector<1x256xi1>, vector<1x256xi32>
    %get3A_283 = arith.constant 4608 : index
    %get3A_284 = arith.constant 0 : index
    %get3A_285 = vector.load %arg8[%get3A_283, %get3A_284] : memref<8192x256xf32, #tpu.memory_space<vmem>>, vector<512x256xf32>
    %get3A_286 = arith.constant 4608 : index
    %get3A_287 = arith.constant 0 : index
    %get3A_288 = vector.load %arg9[%get3A_286, %get3A_287] : memref<8192x1xf32, #tpu.memory_space<vmem>>, vector<512x1xf32>
    %dot_general3A_289 = arith.constant dense<0.000000e+00> : vector<512x256xf32>
    %dot_general3A_290 = tpu.matmul %get3A_285, %div3A_19, %dot_general3A_289 {dimension_numbers = #tpu.dot_dimension_numbers<[1], [0], [0], [1], [0, 0, 1, 1], [], []>, transpose_lhs_hint = false} : vector<512x256xf32>, vector<256x256xf32>, vector<512x256xf32> -> vector<512x256xf32>
    %mul3A_291 = arith.constant 2.000000e+00 : f32
    %mul3A_292 = vector.broadcast %mul3A_291 : f32 to vector<512x256xf32>
    %mul3A_293 = arith.mulf %mul3A_292, %dot_general3A_290 : vector<512x256xf32>
    %sub3A_294 = vector.broadcast %broadcast_in_dim3A_23 : vector<1x256xf32> to vector<512x256xf32>
    %sub3A_295 = arith.subf %sub3A_294, %mul3A_293 : vector<512x256xf32>
    %add3A_296 = vector.broadcast %get3A_288 : vector<512x1xf32> to vector<512x256xf32>
    %add3A_297 = arith.addf %sub3A_295, %add3A_296 : vector<512x256xf32>
    %neg3A_298 = arith.constant 0.000000e+00 : f32
    %neg3A_299 = vector.broadcast %neg3A_298 : f32 to vector<512x256xf32>
    %neg3A_300 = arith.subf %neg3A_299, %add3A_297 : vector<512x256xf32>
    %reduce_max3A_301 = arith.constant dense<0xFF800000> : vector<256xf32>
    %reduce_max3A_302 = vector.multi_reduction <maximumf>, %neg3A_300, %reduce_max3A_301 [0] : vector<512x256xf32> to vector<256xf32>
    %broadcast_in_dim3A_303 = vector.shape_cast %reduce_max3A_302 : vector<256xf32> to vector<1x256xf32>
    %argmax3A_304 = tpu.reduce_index %neg3A_300 {axis = 0 : i32, kind = #tpu.reduction_kind<arg_max>} : vector<512x256xf32> -> vector<256xi32>
    %broadcast_in_dim3A_305 = vector.shape_cast %argmax3A_304 : vector<256xi32> to vector<1x256xi32>
    %add3A_306 = arith.constant 4608 : i32
    %add3A_307 = vector.broadcast %add3A_306 : i32 to vector<1x256xi32>
    %add3A_308 = arith.addi %broadcast_in_dim3A_305, %add3A_307 : vector<1x256xi32>
    %gt3A_309 = arith.cmpf ogt, %broadcast_in_dim3A_303, %select_n3A_281 : vector<1x256xf32>
    %select_n3A_310 = arith.select %gt3A_309, %broadcast_in_dim3A_303, %select_n3A_281 : vector<1x256xi1>, vector<1x256xf32>
    %select_n3A_311 = arith.select %gt3A_309, %add3A_308, %select_n3A_282 : vector<1x256xi1>, vector<1x256xi32>
    %get3A_312 = arith.constant 5120 : index
    %get3A_313 = arith.constant 0 : index
    %get3A_314 = vector.load %arg8[%get3A_312, %get3A_313] : memref<8192x256xf32, #tpu.memory_space<vmem>>, vector<512x256xf32>
    %get3A_315 = arith.constant 5120 : index
    %get3A_316 = arith.constant 0 : index
    %get3A_317 = vector.load %arg9[%get3A_315, %get3A_316] : memref<8192x1xf32, #tpu.memory_space<vmem>>, vector<512x1xf32>
    %dot_general3A_318 = arith.constant dense<0.000000e+00> : vector<512x256xf32>
    %dot_general3A_319 = tpu.matmul %get3A_314, %div3A_19, %dot_general3A_318 {dimension_numbers = #tpu.dot_dimension_numbers<[1], [0], [0], [1], [0, 0, 1, 1], [], []>, transpose_lhs_hint = false} : vector<512x256xf32>, vector<256x256xf32>, vector<512x256xf32> -> vector<512x256xf32>
    %mul3A_320 = arith.constant 2.000000e+00 : f32
    %mul3A_321 = vector.broadcast %mul3A_320 : f32 to vector<512x256xf32>
    %mul3A_322 = arith.mulf %mul3A_321, %dot_general3A_319 : vector<512x256xf32>
    %sub3A_323 = vector.broadcast %broadcast_in_dim3A_23 : vector<1x256xf32> to vector<512x256xf32>
    %sub3A_324 = arith.subf %sub3A_323, %mul3A_322 : vector<512x256xf32>
    %add3A_325 = vector.broadcast %get3A_317 : vector<512x1xf32> to vector<512x256xf32>
    %add3A_326 = arith.addf %sub3A_324, %add3A_325 : vector<512x256xf32>
    %neg3A_327 = arith.constant 0.000000e+00 : f32
    %neg3A_328 = vector.broadcast %neg3A_327 : f32 to vector<512x256xf32>
    %neg3A_329 = arith.subf %neg3A_328, %add3A_326 : vector<512x256xf32>
    %reduce_max3A_330 = arith.constant dense<0xFF800000> : vector<256xf32>
    %reduce_max3A_331 = vector.multi_reduction <maximumf>, %neg3A_329, %reduce_max3A_330 [0] : vector<512x256xf32> to vector<256xf32>
    %broadcast_in_dim3A_332 = vector.shape_cast %reduce_max3A_331 : vector<256xf32> to vector<1x256xf32>
    %argmax3A_333 = tpu.reduce_index %neg3A_329 {axis = 0 : i32, kind = #tpu.reduction_kind<arg_max>} : vector<512x256xf32> -> vector<256xi32>
    %broadcast_in_dim3A_334 = vector.shape_cast %argmax3A_333 : vector<256xi32> to vector<1x256xi32>
    %add3A_335 = arith.constant 5120 : i32
    %add3A_336 = vector.broadcast %add3A_335 : i32 to vector<1x256xi32>
    %add3A_337 = arith.addi %broadcast_in_dim3A_334, %add3A_336 : vector<1x256xi32>
    %gt3A_338 = arith.cmpf ogt, %broadcast_in_dim3A_332, %select_n3A_310 : vector<1x256xf32>
    %select_n3A_339 = arith.select %gt3A_338, %broadcast_in_dim3A_332, %select_n3A_310 : vector<1x256xi1>, vector<1x256xf32>
    %select_n3A_340 = arith.select %gt3A_338, %add3A_337, %select_n3A_311 : vector<1x256xi1>, vector<1x256xi32>
    %get3A_341 = arith.constant 5632 : index
    %get3A_342 = arith.constant 0 : index
    %get3A_343 = vector.load %arg8[%get3A_341, %get3A_342] : memref<8192x256xf32, #tpu.memory_space<vmem>>, vector<512x256xf32>
    %get3A_344 = arith.constant 5632 : index
    %get3A_345 = arith.constant 0 : index
    %get3A_346 = vector.load %arg9[%get3A_344, %get3A_345] : memref<8192x1xf32, #tpu.memory_space<vmem>>, vector<512x1xf32>
    %dot_general3A_347 = arith.constant dense<0.000000e+00> : vector<512x256xf32>
    %dot_general3A_348 = tpu.matmul %get3A_343, %div3A_19, %dot_general3A_347 {dimension_numbers = #tpu.dot_dimension_numbers<[1], [0], [0], [1], [0, 0, 1, 1], [], []>, transpose_lhs_hint = false} : vector<512x256xf32>, vector<256x256xf32>, vector<512x256xf32> -> vector<512x256xf32>
    %mul3A_349 = arith.constant 2.000000e+00 : f32
    %mul3A_350 = vector.broadcast %mul3A_349 : f32 to vector<512x256xf32>
    %mul3A_351 = arith.mulf %mul3A_350, %dot_general3A_348 : vector<512x256xf32>
    %sub3A_352 = vector.broadcast %broadcast_in_dim3A_23 : vector<1x256xf32> to vector<512x256xf32>
    %sub3A_353 = arith.subf %sub3A_352, %mul3A_351 : vector<512x256xf32>
    %add3A_354 = vector.broadcast %get3A_346 : vector<512x1xf32> to vector<512x256xf32>
    %add3A_355 = arith.addf %sub3A_353, %add3A_354 : vector<512x256xf32>
    %neg3A_356 = arith.constant 0.000000e+00 : f32
    %neg3A_357 = vector.broadcast %neg3A_356 : f32 to vector<512x256xf32>
    %neg3A_358 = arith.subf %neg3A_357, %add3A_355 : vector<512x256xf32>
    %reduce_max3A_359 = arith.constant dense<0xFF800000> : vector<256xf32>
    %reduce_max3A_360 = vector.multi_reduction <maximumf>, %neg3A_358, %reduce_max3A_359 [0] : vector<512x256xf32> to vector<256xf32>
    %broadcast_in_dim3A_361 = vector.shape_cast %reduce_max3A_360 : vector<256xf32> to vector<1x256xf32>
    %argmax3A_362 = tpu.reduce_index %neg3A_358 {axis = 0 : i32, kind = #tpu.reduction_kind<arg_max>} : vector<512x256xf32> -> vector<256xi32>
    %broadcast_in_dim3A_363 = vector.shape_cast %argmax3A_362 : vector<256xi32> to vector<1x256xi32>
    %add3A_364 = arith.constant 5632 : i32
    %add3A_365 = vector.broadcast %add3A_364 : i32 to vector<1x256xi32>
    %add3A_366 = arith.addi %broadcast_in_dim3A_363, %add3A_365 : vector<1x256xi32>
    %gt3A_367 = arith.cmpf ogt, %broadcast_in_dim3A_361, %select_n3A_339 : vector<1x256xf32>
    %select_n3A_368 = arith.select %gt3A_367, %broadcast_in_dim3A_361, %select_n3A_339 : vector<1x256xi1>, vector<1x256xf32>
    %select_n3A_369 = arith.select %gt3A_367, %add3A_366, %select_n3A_340 : vector<1x256xi1>, vector<1x256xi32>
    %get3A_370 = arith.constant 6144 : index
    %get3A_371 = arith.constant 0 : index
    %get3A_372 = vector.load %arg8[%get3A_370, %get3A_371] : memref<8192x256xf32, #tpu.memory_space<vmem>>, vector<512x256xf32>
    %get3A_373 = arith.constant 6144 : index
    %get3A_374 = arith.constant 0 : index
    %get3A_375 = vector.load %arg9[%get3A_373, %get3A_374] : memref<8192x1xf32, #tpu.memory_space<vmem>>, vector<512x1xf32>
    %dot_general3A_376 = arith.constant dense<0.000000e+00> : vector<512x256xf32>
    %dot_general3A_377 = tpu.matmul %get3A_372, %div3A_19, %dot_general3A_376 {dimension_numbers = #tpu.dot_dimension_numbers<[1], [0], [0], [1], [0, 0, 1, 1], [], []>, transpose_lhs_hint = false} : vector<512x256xf32>, vector<256x256xf32>, vector<512x256xf32> -> vector<512x256xf32>
    %mul3A_378 = arith.constant 2.000000e+00 : f32
    %mul3A_379 = vector.broadcast %mul3A_378 : f32 to vector<512x256xf32>
    %mul3A_380 = arith.mulf %mul3A_379, %dot_general3A_377 : vector<512x256xf32>
    %sub3A_381 = vector.broadcast %broadcast_in_dim3A_23 : vector<1x256xf32> to vector<512x256xf32>
    %sub3A_382 = arith.subf %sub3A_381, %mul3A_380 : vector<512x256xf32>
    %add3A_383 = vector.broadcast %get3A_375 : vector<512x1xf32> to vector<512x256xf32>
    %add3A_384 = arith.addf %sub3A_382, %add3A_383 : vector<512x256xf32>
    %neg3A_385 = arith.constant 0.000000e+00 : f32
    %neg3A_386 = vector.broadcast %neg3A_385 : f32 to vector<512x256xf32>
    %neg3A_387 = arith.subf %neg3A_386, %add3A_384 : vector<512x256xf32>
    %reduce_max3A_388 = arith.constant dense<0xFF800000> : vector<256xf32>
    %reduce_max3A_389 = vector.multi_reduction <maximumf>, %neg3A_387, %reduce_max3A_388 [0] : vector<512x256xf32> to vector<256xf32>
    %broadcast_in_dim3A_390 = vector.shape_cast %reduce_max3A_389 : vector<256xf32> to vector<1x256xf32>
    %argmax3A_391 = tpu.reduce_index %neg3A_387 {axis = 0 : i32, kind = #tpu.reduction_kind<arg_max>} : vector<512x256xf32> -> vector<256xi32>
    %broadcast_in_dim3A_392 = vector.shape_cast %argmax3A_391 : vector<256xi32> to vector<1x256xi32>
    %add3A_393 = arith.constant 6144 : i32
    %add3A_394 = vector.broadcast %add3A_393 : i32 to vector<1x256xi32>
    %add3A_395 = arith.addi %broadcast_in_dim3A_392, %add3A_394 : vector<1x256xi32>
    %gt3A_396 = arith.cmpf ogt, %broadcast_in_dim3A_390, %select_n3A_368 : vector<1x256xf32>
    %select_n3A_397 = arith.select %gt3A_396, %broadcast_in_dim3A_390, %select_n3A_368 : vector<1x256xi1>, vector<1x256xf32>
    %select_n3A_398 = arith.select %gt3A_396, %add3A_395, %select_n3A_369 : vector<1x256xi1>, vector<1x256xi32>
    %get3A_399 = arith.constant 6656 : index
    %get3A_400 = arith.constant 0 : index
    %get3A_401 = vector.load %arg8[%get3A_399, %get3A_400] : memref<8192x256xf32, #tpu.memory_space<vmem>>, vector<512x256xf32>
    %get3A_402 = arith.constant 6656 : index
    %get3A_403 = arith.constant 0 : index
    %get3A_404 = vector.load %arg9[%get3A_402, %get3A_403] : memref<8192x1xf32, #tpu.memory_space<vmem>>, vector<512x1xf32>
    %dot_general3A_405 = arith.constant dense<0.000000e+00> : vector<512x256xf32>
    %dot_general3A_406 = tpu.matmul %get3A_401, %div3A_19, %dot_general3A_405 {dimension_numbers = #tpu.dot_dimension_numbers<[1], [0], [0], [1], [0, 0, 1, 1], [], []>, transpose_lhs_hint = false} : vector<512x256xf32>, vector<256x256xf32>, vector<512x256xf32> -> vector<512x256xf32>
    %mul3A_407 = arith.constant 2.000000e+00 : f32
    %mul3A_408 = vector.broadcast %mul3A_407 : f32 to vector<512x256xf32>
    %mul3A_409 = arith.mulf %mul3A_408, %dot_general3A_406 : vector<512x256xf32>
    %sub3A_410 = vector.broadcast %broadcast_in_dim3A_23 : vector<1x256xf32> to vector<512x256xf32>
    %sub3A_411 = arith.subf %sub3A_410, %mul3A_409 : vector<512x256xf32>
    %add3A_412 = vector.broadcast %get3A_404 : vector<512x1xf32> to vector<512x256xf32>
    %add3A_413 = arith.addf %sub3A_411, %add3A_412 : vector<512x256xf32>
    %neg3A_414 = arith.constant 0.000000e+00 : f32
    %neg3A_415 = vector.broadcast %neg3A_414 : f32 to vector<512x256xf32>
    %neg3A_416 = arith.subf %neg3A_415, %add3A_413 : vector<512x256xf32>
    %reduce_max3A_417 = arith.constant dense<0xFF800000> : vector<256xf32>
    %reduce_max3A_418 = vector.multi_reduction <maximumf>, %neg3A_416, %reduce_max3A_417 [0] : vector<512x256xf32> to vector<256xf32>
    %broadcast_in_dim3A_419 = vector.shape_cast %reduce_max3A_418 : vector<256xf32> to vector<1x256xf32>
    %argmax3A_420 = tpu.reduce_index %neg3A_416 {axis = 0 : i32, kind = #tpu.reduction_kind<arg_max>} : vector<512x256xf32> -> vector<256xi32>
    %broadcast_in_dim3A_421 = vector.shape_cast %argmax3A_420 : vector<256xi32> to vector<1x256xi32>
    %add3A_422 = arith.constant 6656 : i32
    %add3A_423 = vector.broadcast %add3A_422 : i32 to vector<1x256xi32>
    %add3A_424 = arith.addi %broadcast_in_dim3A_421, %add3A_423 : vector<1x256xi32>
    %gt3A_425 = arith.cmpf ogt, %broadcast_in_dim3A_419, %select_n3A_397 : vector<1x256xf32>
    %select_n3A_426 = arith.select %gt3A_425, %broadcast_in_dim3A_419, %select_n3A_397 : vector<1x256xi1>, vector<1x256xf32>
    %select_n3A_427 = arith.select %gt3A_425, %add3A_424, %select_n3A_398 : vector<1x256xi1>, vector<1x256xi32>
    %get3A_428 = arith.constant 7168 : index
    %get3A_429 = arith.constant 0 : index
    %get3A_430 = vector.load %arg8[%get3A_428, %get3A_429] : memref<8192x256xf32, #tpu.memory_space<vmem>>, vector<512x256xf32>
    %get3A_431 = arith.constant 7168 : index
    %get3A_432 = arith.constant 0 : index
    %get3A_433 = vector.load %arg9[%get3A_431, %get3A_432] : memref<8192x1xf32, #tpu.memory_space<vmem>>, vector<512x1xf32>
    %dot_general3A_434 = arith.constant dense<0.000000e+00> : vector<512x256xf32>
    %dot_general3A_435 = tpu.matmul %get3A_430, %div3A_19, %dot_general3A_434 {dimension_numbers = #tpu.dot_dimension_numbers<[1], [0], [0], [1], [0, 0, 1, 1], [], []>, transpose_lhs_hint = false} : vector<512x256xf32>, vector<256x256xf32>, vector<512x256xf32> -> vector<512x256xf32>
    %mul3A_436 = arith.constant 2.000000e+00 : f32
    %mul3A_437 = vector.broadcast %mul3A_436 : f32 to vector<512x256xf32>
    %mul3A_438 = arith.mulf %mul3A_437, %dot_general3A_435 : vector<512x256xf32>
    %sub3A_439 = vector.broadcast %broadcast_in_dim3A_23 : vector<1x256xf32> to vector<512x256xf32>
    %sub3A_440 = arith.subf %sub3A_439, %mul3A_438 : vector<512x256xf32>
    %add3A_441 = vector.broadcast %get3A_433 : vector<512x1xf32> to vector<512x256xf32>
    %add3A_442 = arith.addf %sub3A_440, %add3A_441 : vector<512x256xf32>
    %neg3A_443 = arith.constant 0.000000e+00 : f32
    %neg3A_444 = vector.broadcast %neg3A_443 : f32 to vector<512x256xf32>
    %neg3A_445 = arith.subf %neg3A_444, %add3A_442 : vector<512x256xf32>
    %reduce_max3A_446 = arith.constant dense<0xFF800000> : vector<256xf32>
    %reduce_max3A_447 = vector.multi_reduction <maximumf>, %neg3A_445, %reduce_max3A_446 [0] : vector<512x256xf32> to vector<256xf32>
    %broadcast_in_dim3A_448 = vector.shape_cast %reduce_max3A_447 : vector<256xf32> to vector<1x256xf32>
    %argmax3A_449 = tpu.reduce_index %neg3A_445 {axis = 0 : i32, kind = #tpu.reduction_kind<arg_max>} : vector<512x256xf32> -> vector<256xi32>
    %broadcast_in_dim3A_450 = vector.shape_cast %argmax3A_449 : vector<256xi32> to vector<1x256xi32>
    %add3A_451 = arith.constant 7168 : i32
    %add3A_452 = vector.broadcast %add3A_451 : i32 to vector<1x256xi32>
    %add3A_453 = arith.addi %broadcast_in_dim3A_450, %add3A_452 : vector<1x256xi32>
    %gt3A_454 = arith.cmpf ogt, %broadcast_in_dim3A_448, %select_n3A_426 : vector<1x256xf32>
    %select_n3A_455 = arith.select %gt3A_454, %broadcast_in_dim3A_448, %select_n3A_426 : vector<1x256xi1>, vector<1x256xf32>
    %select_n3A_456 = arith.select %gt3A_454, %add3A_453, %select_n3A_427 : vector<1x256xi1>, vector<1x256xi32>
    %get3A_457 = arith.constant 7680 : index
    %get3A_458 = arith.constant 0 : index
    %get3A_459 = vector.load %arg8[%get3A_457, %get3A_458] : memref<8192x256xf32, #tpu.memory_space<vmem>>, vector<512x256xf32>
    %get3A_460 = arith.constant 7680 : index
    %get3A_461 = arith.constant 0 : index
    %get3A_462 = vector.load %arg9[%get3A_460, %get3A_461] : memref<8192x1xf32, #tpu.memory_space<vmem>>, vector<512x1xf32>
    %dot_general3A_463 = arith.constant dense<0.000000e+00> : vector<512x256xf32>
    %dot_general3A_464 = tpu.matmul %get3A_459, %div3A_19, %dot_general3A_463 {dimension_numbers = #tpu.dot_dimension_numbers<[1], [0], [0], [1], [0, 0, 1, 1], [], []>, transpose_lhs_hint = false} : vector<512x256xf32>, vector<256x256xf32>, vector<512x256xf32> -> vector<512x256xf32>
    %mul3A_465 = arith.constant 2.000000e+00 : f32
    %mul3A_466 = vector.broadcast %mul3A_465 : f32 to vector<512x256xf32>
    %mul3A_467 = arith.mulf %mul3A_466, %dot_general3A_464 : vector<512x256xf32>
    %sub3A_468 = vector.broadcast %broadcast_in_dim3A_23 : vector<1x256xf32> to vector<512x256xf32>
    %sub3A_469 = arith.subf %sub3A_468, %mul3A_467 : vector<512x256xf32>
    %add3A_470 = vector.broadcast %get3A_462 : vector<512x1xf32> to vector<512x256xf32>
    %add3A_471 = arith.addf %sub3A_469, %add3A_470 : vector<512x256xf32>
    %neg3A_472 = arith.constant 0.000000e+00 : f32
    %neg3A_473 = vector.broadcast %neg3A_472 : f32 to vector<512x256xf32>
    %neg3A_474 = arith.subf %neg3A_473, %add3A_471 : vector<512x256xf32>
    %reduce_max3A_475 = arith.constant dense<0xFF800000> : vector<256xf32>
    %reduce_max3A_476 = vector.multi_reduction <maximumf>, %neg3A_474, %reduce_max3A_475 [0] : vector<512x256xf32> to vector<256xf32>
    %broadcast_in_dim3A_477 = vector.shape_cast %reduce_max3A_476 : vector<256xf32> to vector<1x256xf32>
    %argmax3A_478 = tpu.reduce_index %neg3A_474 {axis = 0 : i32, kind = #tpu.reduction_kind<arg_max>} : vector<512x256xf32> -> vector<256xi32>
    %broadcast_in_dim3A_479 = vector.shape_cast %argmax3A_478 : vector<256xi32> to vector<1x256xi32>
    %add3A_480 = arith.constant 7680 : i32
    %add3A_481 = vector.broadcast %add3A_480 : i32 to vector<1x256xi32>
    %add3A_482 = arith.addi %broadcast_in_dim3A_479, %add3A_481 : vector<1x256xi32>
    %gt3A_483 = arith.cmpf ogt, %broadcast_in_dim3A_477, %select_n3A_455 : vector<1x256xf32>
    %select_n3A_484 = arith.select %gt3A_483, %add3A_482, %select_n3A_456 : vector<1x256xi1>, vector<1x256xi32>
    %swap3A = arith.constant 0 : index
    %swap3A_485 = arith.constant 0 : index
    %swap3A_486 = arith.constant 0 : index
    %swap3A_487 = vector.load %arg7[%swap3A, %swap3A_485, %swap3A_486] : memref<1x1x256xi32, #tpu.memory_space<vmem>>, vector<1x1x256xi32>
    %swap3A_488 = vector.shape_cast %swap3A_487 : vector<1x1x256xi32> to vector<1x256xi32>
    %swap3A_489 = vector.shape_cast %select_n3A_484 : vector<1x256xi32> to vector<1x1x256xi32>
    tpu.vector_store %arg7[%swap3A, %swap3A_485, %swap3A_486], %swap3A_489 {strides = array<i32>} : memref<1x1x256xi32, #tpu.memory_space<vmem>>, vector<1x1x256xi32>,
    %transpose3A = tpu.transpose %add3A_15, [1, 0] : vector<256x256xf32> -> vector<256x256xf32>
    %swap3A_490 = arith.constant 0 : index
    %swap3A_491 = arith.constant 0 : index
    %swap3A_492 = vector.load %arg6[%swap3A_490, %swap3A_491] : memref<256x256xf32, #tpu.memory_space<vmem>>, vector<256x256xf32>
    tpu.vector_store %arg6[%swap3A_490, %swap3A_491], %transpose3A {strides = array<i32>} : memref<256x256xf32, #tpu.memory_space<vmem>>, vector<256x256xf32>,
    return
  }
  func.func @transform_0(%arg0: i32, %arg1: i32) -> (i32, i32, i32) {
    %c0_i32 = arith.constant 0 : i32
    %c0_i32_0 = arith.constant 0 : i32
    return %arg0, %c0_i32, %arg1 : i32, i32, i32
  }
  func.func @transform_1(%arg0: i32, %arg1: i32) -> (i32, i32) {
    %c0_i32 = arith.constant 0 : i32
    %c0_i32_0 = arith.constant 0 : i32
    %c0_i32_1 = arith.constant 0 : i32
    return %c0_i32, %c0_i32_0 : i32, i32
  }
  func.func @transform_2(%arg0: i32, %arg1: i32) -> (i32, i32) {
    %c0_i32 = arith.constant 0 : i32
    %c0_i32_0 = arith.constant 0 : i32
    %c0_i32_1 = arith.constant 0 : i32
    return %c0_i32, %c0_i32_0 : i32, i32
  }
  func.func @transform_3(%arg0: i32, %arg1: i32) -> (i32, i32) {
    %c0_i32 = arith.constant 0 : i32
    %c0_i32_0 = arith.constant 0 : i32
    %c0_i32_1 = arith.constant 0 : i32
    return %c0_i32, %c0_i32_0 : i32, i32
  }
  func.func @transform_4(%arg0: i32, %arg1: i32) -> (i32, i32) {
    %mul3A = arith.constant 8 : i32
    %mul3A_0 = arith.muli %arg0, %mul3A : i32
    %add3A = arith.addi %mul3A_0, %arg1 : i32
    %c0_i32 = arith.constant 0 : i32
    %c0_i32_1 = arith.constant 0 : i32
    return %add3A, %c0_i32 : i32, i32
  }
  func.func @transform_5(%arg0: i32, %arg1: i32) -> (i32, i32, i32) {
    %c0_i32 = arith.constant 0 : i32
    %c0_i32_0 = arith.constant 0 : i32
    return %arg0, %c0_i32, %arg1 : i32, i32, i32
  }
}

module attributes {stable_mosaic.version = 14 : i64} {
  func.func @body(%arg0: i32, %arg1: i32, %arg2: memref<256x256xf32, #tpu.memory_space<vmem>>, %arg3: memref<256x256xf32, #tpu.memory_space<vmem>>, %arg4: memref<1024x256xf32, #tpu.memory_space<vmem>>, %arg5: memref<1024x1xf32, #tpu.memory_space<vmem>>, %arg6: memref<1x1024x256xf32, #tpu.memory_space<vmem>>, %arg7: memref<8x1xf32, #tpu.memory_space<smem>>) attributes {dimension_semantics = [#tpu.dimension_semantics<arbitrary>, #tpu.dimension_semantics<arbitrary>], iteration_bounds = array<i64: 8, 8>, scalar_prefetch = 0 : i64, scratch_operands = 0 : i64, tpu.core_type = #tpu.core_type<tc>, window_params = [{transform_indices = @transform_0, window_bounds = array<i64: 256, 256>}, {transform_indices = @transform_1, window_bounds = array<i64: 256, 256>}, {pipeline_mode = #tpu.pipeline_mode<synchronous>, transform_indices = @transform_2, window_bounds = array<i64: 1024, 256>}, {pipeline_mode = #tpu.pipeline_mode<synchronous>, transform_indices = @transform_3, window_bounds = array<i64: 1024, 1>}, {transform_indices = @transform_4, window_bounds = array<i64: 1, 1024, 256>}, {transform_indices = @transform_5, window_bounds = array<i64: 8, 1>}]} {
    %get3A = arith.constant 0 : index
    %get3A_0 = arith.constant 0 : index
    %get3A_1 = vector.load %arg2[%get3A, %get3A_0] : memref<256x256xf32, #tpu.memory_space<vmem>>, vector<256x256xf32>
    %get3A_2 = arith.constant 0 : index
    %get3A_3 = arith.constant 0 : index
    %get3A_4 = vector.load %arg4[%get3A_2, %get3A_3] : memref<1024x256xf32, #tpu.memory_space<vmem>>, vector<1024x256xf32>
    %dot_general3A = arith.constant dense<0.000000e+00> : vector<1024x256xf32>
    %dot_general3A_5 = tpu.matmul %get3A_4, %get3A_1, %dot_general3A {dimension_numbers = #tpu.dot_dimension_numbers<[1], [1], [0], [0], [0, 0, 1, 0], [], []>, transpose_lhs_hint = false} : vector<1024x256xf32>, vector<256x256xf32>, vector<1024x256xf32> -> vector<1024x256xf32>
    %get3A_6 = arith.constant 0 : index
    %get3A_7 = arith.constant 0 : index
    %get3A_8 = vector.load %arg5[%get3A_6, %get3A_7] : memref<1024x1xf32, #tpu.memory_space<vmem>>, vector<1024x1xf32>
    %add3A = vector.broadcast %get3A_8 : vector<1024x1xf32> to vector<1024x256xf32>
    %add3A_9 = arith.addf %dot_general3A_5, %add3A : vector<1024x256xf32>
    %swap3A = arith.constant 0 : index
    %swap3A_10 = arith.constant 0 : index
    %swap3A_11 = arith.constant 0 : index
    %swap3A_12 = vector.load %arg6[%swap3A, %swap3A_10, %swap3A_11] : memref<1x1024x256xf32, #tpu.memory_space<vmem>>, vector<1x1024x256xf32>
    %swap3A_13 = vector.shape_cast %swap3A_12 : vector<1x1024x256xf32> to vector<1024x256xf32>
    %swap3A_14 = vector.shape_cast %add3A_9 : vector<1024x256xf32> to vector<1x1024x256xf32>
    tpu.vector_store %arg6[%swap3A, %swap3A_10, %swap3A_11], %swap3A_14 {strides = array<i32>} : memref<1x1024x256xf32, #tpu.memory_space<vmem>>, vector<1x1024x256xf32>,
    %get3A_15 = arith.constant 0 : index
    %get3A_16 = arith.constant 0 : index
    %get3A_17 = vector.load %arg3[%get3A_15, %get3A_16] : memref<256x256xf32, #tpu.memory_space<vmem>>, vector<256x256xf32>
    %sub3A = arith.subf %get3A_17, %get3A_1 : vector<256x256xf32>
    %mul3A = arith.mulf %sub3A, %sub3A : vector<256x256xf32>
    %reduce_sum3A = vector.shape_cast %mul3A : vector<256x256xf32> to vector<1x256x256xf32>
    %reduce_sum3A_18 = arith.constant dense<0.000000e+00> : vector<1xf32>
    %reduce_sum3A_19 = vector.multi_reduction <add>, %reduce_sum3A, %reduce_sum3A_18 [1, 2] : vector<1x256x256xf32> to vector<1xf32>
    %reduce_sum3A_20 = vector.shape_cast %reduce_sum3A_19 : vector<1xf32> to vector<1x1x1xf32>
    %reduce_sum3A_21 = vector.extract %reduce_sum3A_20[0, 0, 0] : f32 from vector<1x1x1xf32>
    %eq3A = arith.constant 0 : i32
    %eq3A_22 = arith.cmpi eq, %arg0, %eq3A : i32
    %eq3A_23 = arith.constant 0 : i32
    %eq3A_24 = arith.cmpi eq, %arg1, %eq3A_23 : i32
    %and3A = arith.andi %eq3A_22, %eq3A_24 : i1
    %convert_element_type3A = arith.extui %and3A : i1 to i32
    %cond3A = arith.constant 0 : i32
    %cond3A_25 = arith.cmpi ne, %convert_element_type3A, %cond3A : i32
    scf.if %cond3A_25 {
      %swap3A_33 = arith.constant 0.000000e+00 : f32
      %swap3A_34 = arith.constant 0 : index
      %swap3A_35 = arith.constant 0 : index
      %swap3A_36 = memref.load %arg7[%swap3A_34, %swap3A_35] : memref<8x1xf32, #tpu.memory_space<smem>>
      memref.store %swap3A_33, %arg7[%swap3A_34, %swap3A_35] : memref<8x1xf32, #tpu.memory_space<smem>>
      %swap3A_37 = arith.constant 0.000000e+00 : f32
      %swap3A_38 = arith.constant 1 : index
      %swap3A_39 = arith.constant 0 : index
      %swap3A_40 = memref.load %arg7[%swap3A_38, %swap3A_39] : memref<8x1xf32, #tpu.memory_space<smem>>
      memref.store %swap3A_37, %arg7[%swap3A_38, %swap3A_39] : memref<8x1xf32, #tpu.memory_space<smem>>
      %swap3A_41 = arith.constant 0.000000e+00 : f32
      %swap3A_42 = arith.constant 2 : index
      %swap3A_43 = arith.constant 0 : index
      %swap3A_44 = memref.load %arg7[%swap3A_42, %swap3A_43] : memref<8x1xf32, #tpu.memory_space<smem>>
      memref.store %swap3A_41, %arg7[%swap3A_42, %swap3A_43] : memref<8x1xf32, #tpu.memory_space<smem>>
      %swap3A_45 = arith.constant 0.000000e+00 : f32
      %swap3A_46 = arith.constant 3 : index
      %swap3A_47 = arith.constant 0 : index
      %swap3A_48 = memref.load %arg7[%swap3A_46, %swap3A_47] : memref<8x1xf32, #tpu.memory_space<smem>>
      memref.store %swap3A_45, %arg7[%swap3A_46, %swap3A_47] : memref<8x1xf32, #tpu.memory_space<smem>>
      %swap3A_49 = arith.constant 0.000000e+00 : f32
      %swap3A_50 = arith.constant 4 : index
      %swap3A_51 = arith.constant 0 : index
      %swap3A_52 = memref.load %arg7[%swap3A_50, %swap3A_51] : memref<8x1xf32, #tpu.memory_space<smem>>
      memref.store %swap3A_49, %arg7[%swap3A_50, %swap3A_51] : memref<8x1xf32, #tpu.memory_space<smem>>
      %swap3A_53 = arith.constant 0.000000e+00 : f32
      %swap3A_54 = arith.constant 5 : index
      %swap3A_55 = arith.constant 0 : index
      %swap3A_56 = memref.load %arg7[%swap3A_54, %swap3A_55] : memref<8x1xf32, #tpu.memory_space<smem>>
      memref.store %swap3A_53, %arg7[%swap3A_54, %swap3A_55] : memref<8x1xf32, #tpu.memory_space<smem>>
      %swap3A_57 = arith.constant 0.000000e+00 : f32
      %swap3A_58 = arith.constant 6 : index
      %swap3A_59 = arith.constant 0 : index
      %swap3A_60 = memref.load %arg7[%swap3A_58, %swap3A_59] : memref<8x1xf32, #tpu.memory_space<smem>>
      memref.store %swap3A_57, %arg7[%swap3A_58, %swap3A_59] : memref<8x1xf32, #tpu.memory_space<smem>>
      %swap3A_61 = arith.constant 0.000000e+00 : f32
      %swap3A_62 = arith.constant 7 : index
      %swap3A_63 = arith.constant 0 : index
      %swap3A_64 = memref.load %arg7[%swap3A_62, %swap3A_63] : memref<8x1xf32, #tpu.memory_space<smem>>
      memref.store %swap3A_61, %arg7[%swap3A_62, %swap3A_63] : memref<8x1xf32, #tpu.memory_space<smem>>
    } else {
    }
    %get3A_26 = arith.index_cast %arg0 : i32 to index
    %get3A_27 = arith.constant 0 : index
    %get3A_28 = memref.load %arg7[%get3A_26, %get3A_27] : memref<8x1xf32, #tpu.memory_space<smem>>
    %add3A_29 = arith.addf %get3A_28, %reduce_sum3A_21 : f32
    %swap3A_30 = arith.index_cast %arg0 : i32 to index
    %swap3A_31 = arith.constant 0 : index
    %swap3A_32 = memref.load %arg7[%swap3A_30, %swap3A_31] : memref<8x1xf32, #tpu.memory_space<smem>>
    memref.store %add3A_29, %arg7[%swap3A_30, %swap3A_31] : memref<8x1xf32, #tpu.memory_space<smem>>
    return
  }
  func.func @transform_0(%arg0: i32, %arg1: i32) -> (i32, i32) {
    %mul3A = arith.constant 8 : i32
    %mul3A_0 = arith.muli %arg0, %mul3A : i32
    %add3A = arith.addi %mul3A_0, %arg1 : i32
    %c0_i32 = arith.constant 0 : i32
    %c0_i32_1 = arith.constant 0 : i32
    return %add3A, %c0_i32 : i32, i32
  }
  func.func @transform_1(%arg0: i32, %arg1: i32) -> (i32, i32) {
    %mul3A = arith.constant 8 : i32
    %mul3A_0 = arith.muli %arg0, %mul3A : i32
    %add3A = arith.addi %mul3A_0, %arg1 : i32
    %c0_i32 = arith.constant 0 : i32
    %c0_i32_1 = arith.constant 0 : i32
    return %add3A, %c0_i32 : i32, i32
  }
  func.func @transform_2(%arg0: i32, %arg1: i32) -> (i32, i32) {
    %c0_i32 = arith.constant 0 : i32
    %c0_i32_0 = arith.constant 0 : i32
    %c0_i32_1 = arith.constant 0 : i32
    return %c0_i32, %c0_i32_0 : i32, i32
  }
  func.func @transform_3(%arg0: i32, %arg1: i32) -> (i32, i32) {
    %c0_i32 = arith.constant 0 : i32
    %c0_i32_0 = arith.constant 0 : i32
    %c0_i32_1 = arith.constant 0 : i32
    return %c0_i32, %c0_i32_0 : i32, i32
  }
  func.func @transform_4(%arg0: i32, %arg1: i32) -> (i32, i32, i32) {
    %c0_i32 = arith.constant 0 : i32
    %c0_i32_0 = arith.constant 0 : i32
    return %arg0, %c0_i32, %arg1 : i32, i32, i32
  }
  func.func @transform_5(%arg0: i32, %arg1: i32) -> (i32, i32) {
    %c0_i32 = arith.constant 0 : i32
    %c0_i32_0 = arith.constant 0 : i32
    %c0_i32_1 = arith.constant 0 : i32
    return %c0_i32, %c0_i32_0 : i32, i32
  }
}

</mosaic_0001>

<sc_bundles>
// kernel: kernel.5.cloned.1.call-start
scs
__scs_entry_jumppad:
0x0: {  	(pc) =	sbr.rel $0x88, $3  }
0x1: {  	(tag) =	ssettag $0x0;
	lr =	simm.s32 $0x1  }
0x2: {  	[smem:$0x3F99] =	sst lr;
	_ =	strace $0xD0000000  }
0x3: {  	_ = 	snop  }
0x4: {  	_ = 	snop  }
0x5: {  	_ = 	snop  }
0x6: {  	_ = 	snop  }
0x7: {  	_ = 	snop  }
__scs_overlays_trampoline_lowered:
0x8: {  	[smem:$0x3FA8] =	sst s0  }
0x9: {  	[smem:$0x3FA9] =	sst s1  }
0xa: {  	[smem:$0x3FAA] =	sst s2  }
0xb: {  	[smem:$0x3FAB] =	sst s3  }
0xc: {  	[smem:$0x3FAC] =	sst s4  }
0xd: {  	[smem:$0x3FAD] =	sst s5  }
0xe: {  	[smem:$0x3FAE] =	sst s6  }
0xf: {  	[smem:$0x3FAF] =	sst s7  }
0x10: {  	[smem:$0x3FB0] =	sst s8  }
0x11: {  	[smem:$0x3FB1] =	sst s9;
	s0 =	simm.s32 @!p0 $0x0  }
0x12: {  	s1 =	sld [smem:$0x3F97];
	s0 =	simm.s32 @p0 $0x1  }
0x13: {  	[smem:$0x3FB2] =	sst s0;
	s0 =	simm.s32 @!p1 $0x0  }
0x14: {  	s2 =	sld [smem:$0x3F96];
	s0 =	simm.s32 @p1 $0x1  }
0x15: {  	[smem:$0x3FB3] =	sst s0;
	s0 =	simm.s32 @!p2 $0x0  }
0x16: {  	s3 =	sld [smem:$0x3FDB];
	s0 =	simm.s32 @p2 $0x1  }
0x17: {  	s4 =	simm.s32 $0x1BF5;
	[smem:$0x3FB5] =	sst s0  }
0x18: {  	s0 =	sld [smem:$0x3F98];
	_ =	swait.ge [sflag:s4], $0x0  }
0x19: {  	s7 =	sld [smem:$0x3F99]  }
0x1a: {  	s8 =	sadd.s32 $0xFFFFE003, lr  }
0x1b: {  	s9 =	sadd.s32 $0xFFFFFEF7, lr;
	s5 =	simm.s32 $0xFFFFFFFF;
	p2 =	slt.u32 s8, $0xFFFFF086  }
0x1c: {  	p1 =	slt.u32 s9, $0xF7A;
	s5 =	simm.s32 @!p2 $0x0  }
0x1d: {  	s5 =	simm.s32 @p1 $0x1;
	p0 =	seq.s32 s7, s2  }
0x1e: {  	s7 =	smul.u32 @!p0 $0xF7A, s2;
	p2 =	seq.s32 @!p0 s5, $0x0  }
0x1f: {  	s9 =	smul.u32 $0xF7A, s1;
	s8 =	simm.s32 @!p0 $0x1BF5;
	p2 =	por !p2, p0  }
0x20: {  	[sflag:s8] =	ssyncset.s32 @!p0 $0xFFFFF086;
	s6 =	sadd.s32 @!p0 s3, s7;
	s7 =	simm.s32 @!p0 $0x108  }
0x21: {  	s3 =	sadd.s32 s3, s9;
	s6 =	sadd.s32 @!p0 $0x88, s6;
	s7 =	simm.s32 @p2 $0x1082  }
0x22: {  	[simem:s7], [sflag:s8] =	dma.local @!p0 [hbm:s6], $0xF7A  }
0x23: {  	s9 =	sor.u32 $0xD0000000, s2;
	s6 =	simm.s32 $0x108;
	_ =	swait.ge @!p0 [sflag:s8], $0x0  }
0x24: {  	s3 =	sadd.s32 $0x88, s3;
	s6 =	simm.s32 @!p1 $0x1082;
	[sflag:s4] =	ssyncset.s32 $0xFFFFF086  }
0x25: {  	[simem:s6], [sflag:s4] =	dma.local [hbm:s3], $0xF7A  }
0x26: {  	[smem:$0x3F99] =	sst s1;
	(tag) =	ssettag s2;
	_ =	strace s9  }
0x27: {  	s1 =	sld [smem:$0x3FA9]  }
0x28: {  	s2 =	sld [smem:$0x3FAA]  }
0x29: {  	s4 =	sld [smem:$0x3FAC]  }
0x2a: {  	p0 =	seq.s32 s5, $0x0;
	s5 =	sld [smem:$0x3FAD]  }
0x2b: {  	s6 =	sld [smem:$0x3FAE]  }
0x2c: {  	s7 =	sld [smem:$0x3FAF]  }
0x2d: {  	s3 =	simm.s32 $0x108;
	s8 =	sld [smem:$0x3FB0]  }
0x2e: {  	s3 =	simm.s32 @!p0 $0x1082;
	s9 =	sld [smem:$0x3FB1]  }
0x2f: {  	lr =	sadd.s32 s0, s3;
	s0 =	sld [smem:$0x3FA8]  }
0x30: {  	s3 =	sld [smem:$0x3FAB]  }
0x31: {  	[smem:$0x3FB4] =	sst s10  }
0x32: {  	s10 =	sld [smem:$0x3FB2];
	_ =	sdelay $0x3  }
0x33: {  	p0 =	seq.s32 s10, $0x1;
	s10 =	sld [smem:$0x3FB4];
	_ =	sdelay $0x3  }
0x34: {  	[smem:$0x3FB4] =	sst s10  }
0x35: {  	s10 =	sld [smem:$0x3FB3];
	_ =	sdelay $0x3  }
0x36: {  	p1 =	seq.s32 s10, $0x1;
	s10 =	sld [smem:$0x3FB4];
	_ =	sdelay $0x3  }
0x37: {  	[smem:$0x3FB4] =	sst s10  }
0x38: {  	s10 =	sld [smem:$0x3FB5]  }
0x39: {  	_ = 	snop;
	(pc) =	sbr.ind lr, $3  }
0x3a: {  	_ = 	snop  }
0x3b: {  	_ = 	snop  }
0x3c: {  	p2 =	seq.s32 s10, $0x1;
	s10 =	sld [smem:$0x3FB4]  }
0x3d: {  	_ =	shalt  }
0x3e: {  	_ =	shalt  }
0x3f: {  	_ =	shalt  }
0x40: {  	_ =	shalt  }
0x41: {  	_ =	shalt  }
0x42: {  	_ =	shalt  }
0x43: {  	_ =	shalt  }
0x44: {  	_ =	shalt  }
0x45: {  	_ =	shalt  }
0x46: {  	_ =	shalt  }
0x47: {  	_ =	shalt  }
0x48: {  	_ =	shalt  }
0x49: {  	_ =	shalt  }
0x4a: {  	_ =	shalt  }
0x4b: {  	_ =	shalt  }
0x4c: {  	_ =	shalt  }
0x4d: {  	_ =	shalt  }
0x4e: {  	_ =	shalt  }
0x4f: {  	_ =	shalt  }
0x50: {  	_ =	shalt  }
0x51: {  	_ =	shalt  }
0x52: {  	_ =	shalt  }
0x53: {  	_ =	shalt  }
0x54: {  	_ =	shalt  }
0x55: {  	_ =	shalt  }
0x56: {  	_ =	shalt  }
0x57: {  	_ =	shalt  }
0x58: {  	_ =	shalt  }
0x59: {  	_ =	shalt  }
0x5a: {  	_ =	shalt  }
0x5b: {  	_ =	shalt  }
0x5c: {  	_ =	shalt  }
0x5d: {  	_ =	shalt  }
0x5e: {  	_ =	shalt  }
0x5f: {  	_ =	shalt  }
0x60: {  	_ =	shalt  }
0x61: {  	_ =	shalt  }
0x62: {  	_ =	shalt  }
0x63: {  	_ =	shalt  }
0x64: {  	_ =	shalt  }
0x65: {  	_ =	shalt  }
0x66: {  	_ =	shalt  }
0x67: {  	_ =	shalt  }
0x68: {  	_ =	shalt  }
0x69: {  	_ =	shalt  }
0x6a: {  	_ =	shalt  }
0x6b: {  	_ =	shalt  }
0x6c: {  	_ =	shalt  }
0x6d: {  	_ =	shalt  }
0x6e: {  	_ =	shalt  }
0x6f: {  	_ =	shalt  }
0x70: {  	_ =	shalt  }
0x71: {  	_ =	shalt  }
0x72: {  	_ =	shalt  }
0x73: {  	_ =	shalt  }
0x74: {  	_ =	shalt  }
0x75: {  	_ =	shalt  }
0x76: {  	_ =	shalt  }
0x77: {  	_ =	shalt  }
0x78: {  	_ =	shalt  }
0x79: {  	_ =	shalt  }
0x7a: {  	_ =	shalt  }
0x7b: {  	_ =	shalt  }
0x7c: {  	_ =	shalt  }
0x7d: {  	_ =	shalt  }
0x7e: {  	_ =	shalt  }
0x7f: {  	_ =	shalt  }
0x80: {  	_ =	shalt  }
0x81: {  	_ =	shalt  }
0x82: {  	_ =	shalt  }
0x83: {  	_ =	shalt  }
0x84: {  	_ =	shalt  }
0x85: {  	_ =	shalt  }
0x86: {  	_ =	shalt  }
0x87: {  	_ =	shalt  }
.Lfunc_end0:
.L_simem_size_0:
called_computation_lowered:
.L_overlay_start_0:
0x88: {  	s2 =	sld [smem:$0x3FD9]  }
0x89: {  	s3 =	sld [smem:$0x3FFE];
	_ =	sdelay $0x1  }
0x8a: {  	s1 =	srdreg.scid  }
0x8b: {  	s0 =	sand.u32 $0x1, s1  }
0x8c: {  	s14 =	sshll.u32 s0, $0xA;
	s2 =	sadd.s32 s3, s2  }
0x8d: {  	s2 =	sadd.s32 s2, s14  }
0x8e: {  	[smem:$0x3FC0] =	sst s2  }
0x8f: {  	_ = 	snop  }
0x90: {  	s2 =	sld [smem:$0x3FD0];
	_ =	sdelay $0x2  }
0x91: {  	s4 =	simm.s32 $0xA;
	s5 =	simm.s32 $0x10;
	s15 =	sld [smem:$0x3FC2]  }
0x92: {  	[smem:s5], [sflag:s4] =	dma.local [hbm:s2], $0x1  }
0x93: {  	_ =	swait.eq [sflag:s4], $0x1  }
0x94: {  	[sflag:s4] =	ssyncset.done $0x0  }
0x95: {  	[sflag:s4] =	ssyncadd.s32 $0xFFFFFFFF  }
0x96: {  	s16 =	sld [smem:$0x10];
	(tm) =	ssettm $0x1  }
0x97: {  	s17 =	sld [smem:$0x3FFB];
	_ =	sdelay $0x3  }
0x98: {  	_ =	strace s17  }
0x99: {  	s4 =	sld [smem:$0x3FFC];
	_ =	sdelay $0x3  }
0x9a: {  	_ =	strace s4  }
0x9b: {  	s4 =	sld [smem:$0x3FFD];
	_ =	sdelay $0x3  }
0x9c: {  	_ =	strace s4  }
0x9d: {  	_ =	strace $0x8FFFFFFF  }
0x9e: {  	s18 =	sld [smem:$0x3FDB];
	_ =	sdelay $0x1  }
0x9f: {  	s19 =	simm.s32 $_scs_section_size  }
0xa0: {  	s6 =	simm.s32 $_size__tile_overlayer_lowered;
	s7 =	simm.s32 $_tile_overlayer_lowered  }
0xa1: {  	s22 =	simm.s32 $0x1BFF;
	s21 =	sshll.u32 s7, $0x1;
	s4 =	sadd.s32 s19, s18  }
0xa2: {  	s8 =	simm.s32 $0x0;
	s20 =	sshll.u32 s6, $0x1;
	s6 =	sadd.s32 s21, s4  }
0xa3: {  	[timem:s8], [sflag:s22] =	dma.local [hbm:s6], s20  }
0xa4: {  	_ =	swait.ge [sflag:s22], s20  }
0xa5: {  	s5 =	ssub.s32 $0x0, s20;
	[sflag:s22] =	ssyncset.done $0x0  }
0xa6: {  	[sflag:s22] =	ssyncadd.s32 s5;
	_ =	sdelay $0x1  }
0xa7: {  	s23 =	simm.s32 $0x1B8B  }
0xa8: {  	_ =	swait.ge [sflag:s23], $0x1  }
0xa9: {  	[sflag:s23] =	ssyncset.done $0x0  }
0xaa: {  	s25 =	simm.s32 $0x1B8E;
	s24 =	sld [smem:$0x3FFE];
	[sflag:s23] =	ssyncadd.s32 $0xFFFFFFFF  }
0xab: {  	s26 =	simm.s32 $execute0_lowered;
	[smem:$0x3FD2] =	sst s25  }
0xac: {  	s6 =	sshll.u32 s26, $0x1;
	_ =	strace $0x80000046;
	[dreg:$0x1] =	wrdreg $0xFFFFFFFF  }
0xad: {  	s28 =	simm.s32 $_size_execute0_lowered;
	s4 =	sadd.s32 s4, s6;
	[dreg:$0x0] =	wrdreg $0x0  }
0xae: {  	s6 =	sshll.u32 s28, $0x1;
	[dreg:$0x2] =	wrdreg s4  }
0xaf: {  	[dreg:$0x3] =	wrdreg s6  }
0xb0: {  	[dreg:$0x4] =	wrdreg $0xC0  }
0xb1: {  	_ =	task [dreg:s8], $0x5FFFF  }
0xb2: {  	[dreg:$0x1] =	wrdreg $0xFFFFFFFF  }
0xb3: {  	[dreg:$0x0] =	wrdreg $0x60  }
0xb4: {  	[dreg:$0x2] =	wrdreg s24  }
0xb5: {  	[dreg:$0x3] =	wrdreg s15  }
0xb6: {  	[dreg:$0x4] =	wrdreg s16  }
0xb7: {  	[dreg:$0x5] =	wrdreg $0x9  }
0xb8: {  	_ =	task.clear_ibuf [dreg:s8], $0x6FFFF;
	_ =	strace $0x90000046  }
0xb9: {  	s29 =	simm.s32 $0x9;
	_ =	strace $0x80000048  }
0xba: {  	_ =	swait.ge [sflag:s29], $0x1  }
0xbb: {  	[sflag:s29] =	ssyncadd.s32 $0xFFFFFFFF  }
0xbc: {  	_ =	strace $0x90000048  }
0xbd: {  	_ =	sfence  }
0xbe: {  	s30 =	sld [smem:$0x0];
	_ =	sdelay $0x2  }
0xbf: {  	s31 =	sshll.u32 s1, $0xD;
	s1 =	sshrl.u32 s1, $0x2  }
0xc0: {  	s3 =	sand.u32 $0x4000, s31;
	s1 =	sadd.s32 s1, s30  }
0xc1: {  	s0 =	sor.u32 s3, s0;
	s1 =	sshll.u32 s1, $0x11  }
0xc2: {  	s0 =	sor.u32 s1, s0  }
0xc3: {  	s0 =	sadd.s32 $0x8F2B, s0  }
0xc4: {  	[sflag:s0] =	ssyncadd.remote.s32 $0x1  }
0xc5: {  	_ =	sfence.sel $0xFFFF  }
0xc6: {  	[dreg:$0x0] =	wrdreg $0xFFFFFFFF;
	(pc) =	sbr.abs _section_cstart, $3  }
0xc7: {  	[dreg:$0x1] =	wrdreg $0xFFFFFFFF  }
0xc8: {  	_ =	task.clear_ibuf [dreg:s8], $0x2FFFF;
	_ =	strace $0x9FFFFFFF  }
0xc9: {  	(tm) =	ssettm $0x7FFFFFFF  }
tec
execute0_lowered:
.L_overlay_start_1:
0x0: {  	(tag) =	ssettag $0x1  }
0x1: {  	s4 =	rddreg [dreg:$0x0]  }
0x2: {  	s1 =	rddreg [dreg:$0x1]  }
0x3: {  	s11 =	rddreg [dreg:$0x2]  }
0x4: {  	s0 =	rddreg [dreg:$0x3]  }
0x5: {  	s3 =	simm.s32 $0x0;
	s5 =	srdreg.scid;
	s2 =	stileid.u32  }
0x6: {  	s15 =	simm.s32 $0x880;
	s16 =	simm.s32 $0x1080;
	s17 =	simm.s32 $0x1880  }
0x7: {  	s18 =	simm.s32 $0x2080;
	s19 =	simm.s32 $0x2880;
	s20 =	simm.s32 $0x3080  }
0x8: {  	s28 =	simm.s32 $0x6880;
	s29 =	simm.s32 $0x7080;
	s30 =	simm.s32 $0x7880  }
0x9: {  	s31 =	simm.s32 $0x1;
	[smem:$0x7FF] =	sst s3;
	s5 =	sand.u32 $0x1, s5  }
0xa: {  	s7 =	sshll.u32 s2, $0xA;
	s6 =	ssub.s32 $0x2, s5;
	s5 =	sshll.u32 s5, $0x9  }
0xb: {  	s10 =	sadd.s32 $0x80800, s4;
	s21 =	sshrl.u32 s6, $0x1;
	s9 =	sor.u32 s5, s7  }
0xc: {  	_ =	strace $0x80000047;
	s12 =	ssub.s32 s6, s21;
	s22 =	sshrl.u32 s9, $0x3  }
0xd: {  	s5 =	sshll.u32 s9, $0x5;
	s23 =	sor.u32 $0x80, s9;
	s13 =	sor.u32 $0x100, s9  }
0xe: {  	s14 =	sor.u32 $0x180, s9;
	s21 =	simm.s32 $0x3880;
	s4 =	sadd.s32 s10, s22  }
0xf: {  	s5 =	sadd.s32 s11, s5;
	s24 =	sshrl.u32 s23, $0x3;
	s8 =	sshll.u32 s23, $0x5  }
0x10: {  	s25 =	sshrl.u32 s13, $0x3;
	s13 =	sshll.u32 s13, $0x5;
	s26 =	sshrl.u32 s14, $0x3  }
0x11: {  	s14 =	sshll.u32 s14, $0x5;
	s12 =	smax.u32 s12, $0x1;
	s22 =	simm.s32 $0x4080  }
0x12: {  	s23 =	simm.s32 $0x4880;
	s6 =	sadd.s32 s10, s24;
	s7 =	sadd.s32 s11, s8  }
0x13: {  	v2 =	vlaneseq.u32;
	s8 =	sadd.s32 s10, s25;
	s9 =	sadd.s32 s11, s13;
	s10 =	sadd.s32 s10, s26  }
0x14: {  	vm0 =	vmmov $0xffff;
	v1 =	vshrl.u32 v2, $0x3;
	s11 =	sadd.s32 s11, s14;
	s13 =	simm.s32 $0x2;
	s14 =	simm.s32 $0x80  }
0x15: {  	v0 =	vand.u32 $0x7, v2;
	v2 =	vor.u32 $0x8, v2;
	v1 =	vmul.u32 $0x8, v1;
	s24 =	simm.s32 $0x5080;
	s25 =	simm.s32 $0x5880;
	s26 =	simm.s32 $0x6080  }
.LBB2_1:
0x16: {  	[tilespmem:s3], [sflag:$0x2] =	stream.linear.gather [hbm4b:s4+s3], $0x80, $0x38;
	[tilespmem:$0x8080] =	vst v63  }
0x17: {  	_ =	swait.ge [sflag:s13], $0x80  }
0x18: {  	[sflag:s13] =	ssyncset.done $0x0  }
0x19: {  	[sflag:s13] =	ssyncadd.s32 $0xFFFFFF80  }
0x1a: {  	v3 =	vld [tilespmem:$0x0];
	_ =	sdelay $0x4  }
0x1b: {  	v4 =	vshll.u32 v3, $0x1  }
0x1c: {  	v3 =	vand.u32 $0x7, v3;
	v4 =	vand.u32 $0xFFFFFFF0, v4  }
0x1d: {  	v3 =	vor.u32 v3, v4  }
0x1e: {  	v4 =	vperm.xlane v3, v0;
	_ =	sdelay $0x1  }
0x1f: {  	v3 =	vperm.xlane v3, v2;
	v4 =	vadd.s32 v1, v4;
	_ =	sdelay $0x1  }
0x20: {  	v3 =	vadd.s32 v1, v3;
	_ =	sdelay $0x2  }
0x21: {  	[tilespmem:s14], [sflag:$0x1] =	stream.indirect_vreg.gather [hbm4b:s1+s3], $0x80, v4, vm0, $0xb8;
	[tilespmem:$0x8080] =	vst v63  }
0x22: {  	_ = 	snop  }
0x23: {  	[tilespmem:s15], [sflag:$0x1] =	stream.indirect_vreg.gather [hbm4b:s1+s3], $0x80, v3, vm0, $0xb8;
	[tilespmem:$0x8080] =	vst v63  }
0x24: {  	v3 =	vld [tilespmem:$0x10];
	_ =	sdelay $0x4  }
0x25: {  	v33 =	vshll.u32 v3, $0x1  }
0x26: {  	v3 =	vand.u32 $0x7, v3;
	v4 =	vand.u32 $0xFFFFFFF0, v33  }
0x27: {  	v3 =	vor.u32 v3, v4  }
0x28: {  	v4 =	vperm.xlane v3, v0;
	_ =	sdelay $0x1  }
0x29: {  	v3 =	vperm.xlane v3, v2;
	v4 =	vadd.s32 v1, v4;
	_ =	sdelay $0x1  }
0x2a: {  	v3 =	vadd.s32 v1, v3;
	_ =	sdelay $0x2  }
0x2b: {  	[tilespmem:s16], [sflag:$0x1] =	stream.indirect_vreg.gather [hbm4b:s1+s3], $0x80, v4, vm0, $0xb8;
	[tilespmem:$0x8080] =	vst v63  }
0x2c: {  	_ = 	snop  }
0x2d: {  	[tilespmem:s17], [sflag:$0x1] =	stream.indirect_vreg.gather [hbm4b:s1+s3], $0x80, v3, vm0, $0xb8;
	[tilespmem:$0x8080] =	vst v63  }
0x2e: {  	v3 =	vld [tilespmem:$0x20];
	_ =	sdelay $0x4  }
0x2f: {  	v34 =	vshll.u32 v3, $0x1  }
0x30: {  	v3 =	vand.u32 $0x7, v3;
	v4 =	vand.u32 $0xFFFFFFF0, v34  }
0x31: {  	v3 =	vor.u32 v3, v4  }
0x32: {  	v4 =	vperm.xlane v3, v0;
	_ =	sdelay $0x1  }
0x33: {  	v3 =	vperm.xlane v3, v2;
	v4 =	vadd.s32 v1, v4;
	_ =	sdelay $0x1  }
0x34: {  	v3 =	vadd.s32 v1, v3;
	_ =	sdelay $0x2  }
0x35: {  	[tilespmem:s18], [sflag:$0x1] =	stream.indirect_vreg.gather [hbm4b:s1+s3], $0x80, v4, vm0, $0xb8;
	[tilespmem:$0x8080] =	vst v63  }
0x36: {  	_ = 	snop  }
0x37: {  	[tilespmem:s19], [sflag:$0x1] =	stream.indirect_vreg.gather [hbm4b:s1+s3], $0x80, v3, vm0, $0xb8;
	[tilespmem:$0x8080] =	vst v63  }
0x38: {  	v3 =	vld [tilespmem:$0x30];
	_ =	sdelay $0x4  }
0x39: {  	v35 =	vshll.u32 v3, $0x1  }
0x3a: {  	v3 =	vand.u32 $0x7, v3;
	v4 =	vand.u32 $0xFFFFFFF0, v35  }
0x3b: {  	v3 =	vor.u32 v3, v4  }
0x3c: {  	v4 =	vperm.xlane v3, v0;
	_ =	sdelay $0x1  }
0x3d: {  	v3 =	vperm.xlane v3, v2;
	v4 =	vadd.s32 v1, v4;
	_ =	sdelay $0x1  }
0x3e: {  	v3 =	vadd.s32 v1, v3;
	_ =	sdelay $0x2  }
0x3f: {  	[tilespmem:s20], [sflag:$0x1] =	stream.indirect_vreg.gather [hbm4b:s1+s3], $0x80, v4, vm0, $0xb8;
	[tilespmem:$0x8080] =	vst v63  }
0x40: {  	_ = 	snop  }
0x41: {  	[tilespmem:s21], [sflag:$0x1] =	stream.indirect_vreg.gather [hbm4b:s1+s3], $0x80, v3, vm0, $0xb8;
	[tilespmem:$0x8080] =	vst v63  }
0x42: {  	v3 =	vld [tilespmem:$0x40];
	_ =	sdelay $0x4  }
0x43: {  	v36 =	vshll.u32 v3, $0x1  }
0x44: {  	v3 =	vand.u32 $0x7, v3;
	v4 =	vand.u32 $0xFFFFFFF0, v36  }
0x45: {  	v3 =	vor.u32 v3, v4  }
0x46: {  	v4 =	vperm.xlane v3, v0;
	_ =	sdelay $0x1  }
0x47: {  	v3 =	vperm.xlane v3, v2;
	v4 =	vadd.s32 v1, v4;
	_ =	sdelay $0x1  }
0x48: {  	v3 =	vadd.s32 v1, v3;
	_ =	sdelay $0x2  }
0x49: {  	[tilespmem:s22], [sflag:$0x1] =	stream.indirect_vreg.gather [hbm4b:s1+s3], $0x80, v4, vm0, $0xb8;
	[tilespmem:$0x8080] =	vst v63  }
0x4a: {  	_ = 	snop  }
0x4b: {  	[tilespmem:s23], [sflag:$0x1] =	stream.indirect_vreg.gather [hbm4b:s1+s3], $0x80, v3, vm0, $0xb8;
	[tilespmem:$0x8080] =	vst v63  }
0x4c: {  	v3 =	vld [tilespmem:$0x50];
	_ =	sdelay $0x4  }
0x4d: {  	v37 =	vshll.u32 v3, $0x1  }
0x4e: {  	v3 =	vand.u32 $0x7, v3;
	v4 =	vand.u32 $0xFFFFFFF0, v37  }
0x4f: {  	v3 =	vor.u32 v3, v4  }
0x50: {  	v4 =	vperm.xlane v3, v0;
	_ =	sdelay $0x1  }
0x51: {  	v3 =	vperm.xlane v3, v2;
	v4 =	vadd.s32 v1, v4;
	_ =	sdelay $0x1  }
0x52: {  	v3 =	vadd.s32 v1, v3;
	_ =	sdelay $0x2  }
0x53: {  	[tilespmem:s24], [sflag:$0x1] =	stream.indirect_vreg.gather [hbm4b:s1+s3], $0x80, v4, vm0, $0xb8;
	[tilespmem:$0x8080] =	vst v63  }
0x54: {  	_ = 	snop  }
0x55: {  	[tilespmem:s25], [sflag:$0x1] =	stream.indirect_vreg.gather [hbm4b:s1+s3], $0x80, v3, vm0, $0xb8;
	[tilespmem:$0x8080] =	vst v63  }
0x56: {  	v3 =	vld [tilespmem:$0x60];
	_ =	sdelay $0x4  }
0x57: {  	v38 =	vshll.u32 v3, $0x1  }
0x58: {  	v3 =	vand.u32 $0x7, v3;
	v4 =	vand.u32 $0xFFFFFFF0, v38  }
0x59: {  	v3 =	vor.u32 v3, v4  }
0x5a: {  	v4 =	vperm.xlane v3, v0;
	_ =	sdelay $0x1  }
0x5b: {  	v3 =	vperm.xlane v3, v2;
	v4 =	vadd.s32 v1, v4;
	_ =	sdelay $0x1  }
0x5c: {  	v3 =	vadd.s32 v1, v3;
	_ =	sdelay $0x2  }
0x5d: {  	[tilespmem:s26], [sflag:$0x1] =	stream.indirect_vreg.gather [hbm4b:s1+s3], $0x80, v4, vm0, $0xb8;
	[tilespmem:$0x8080] =	vst v63  }
0x5e: {  	_ = 	snop  }
0x5f: {  	[tilespmem:s28], [sflag:$0x1] =	stream.indirect_vreg.gather [hbm4b:s1+s3], $0x80, v3, vm0, $0xb8;
	[tilespmem:$0x8080] =	vst v63  }
0x60: {  	v3 =	vld [tilespmem:$0x70];
	_ =	sdelay $0x4  }
0x61: {  	v39 =	vshll.u32 v3, $0x1  }
0x62: {  	v3 =	vand.u32 $0x7, v3;
	v4 =	vand.u32 $0xFFFFFFF0, v39  }
0x63: {  	v3 =	vor.u32 v3, v4  }
0x64: {  	v4 =	vperm.xlane v3, v0;
	_ =	sdelay $0x1  }
0x65: {  	v3 =	vperm.xlane v3, v2;
	v4 =	vadd.s32 v1, v4;
	_ =	sdelay $0x1  }
0x66: {  	v3 =	vadd.s32 v1, v3;
	_ =	sdelay $0x2  }
0x67: {  	[tilespmem:s29], [sflag:$0x1] =	stream.indirect_vreg.gather [hbm4b:s1+s3], $0x80, v4, vm0, $0xb8;
	[tilespmem:$0x8080] =	vst v63  }
0x68: {  	_ = 	snop  }
0x69: {  	[tilespmem:s30], [sflag:$0x1] =	stream.indirect_vreg.gather [hbm4b:s1+s3], $0x80, v3, vm0, $0xb8;
	[tilespmem:$0x8080] =	vst v63  }
0x6a: {  	_ =	swait.ge [sflag:s31], $0x8000  }
0x6b: {  	[sflag:s31] =	ssyncset.done $0x0  }
0x6c: {  	[sflag:s31] =	ssyncadd.s32 $0xFFFF8000  }
0x6d: {  	[hbm4b:s5+s3] =	stream.linear.scatter [tilespmem:s14], [sflag:$0x2], $0x8000, $0x38;
	[tilespmem:$0x8080] =	vst v63  }
0x6e: {  	_ =	swait.ge [sflag:s13], $0x8000  }
0x6f: {  	[sflag:s13] =	ssyncset.done $0x0  }
0x70: {  	[sflag:s13] =	ssyncadd.s32 $0xFFFF8000  }
0x71: {  	[tilespmem:s3], [sflag:$0x2] =	stream.linear.gather [hbm4b:s6+s3], $0x80, $0x38;
	[tilespmem:$0x8080] =	vst v63  }
0x72: {  	_ =	swait.ge [sflag:s13], $0x80  }
0x73: {  	[sflag:s13] =	ssyncset.done $0x0  }
0x74: {  	[sflag:s13] =	ssyncadd.s32 $0xFFFFFF80  }
0x75: {  	v3 =	vld [tilespmem:$0x0];
	_ =	sdelay $0x4  }
0x76: {  	v40 =	vshll.u32 v3, $0x1  }
0x77: {  	v3 =	vand.u32 $0x7, v3;
	v4 =	vand.u32 $0xFFFFFFF0, v40  }
0x78: {  	v3 =	vor.u32 v3, v4  }
0x79: {  	v4 =	vperm.xlane v3, v0;
	_ =	sdelay $0x1  }
0x7a: {  	v3 =	vperm.xlane v3, v2;
	v4 =	vadd.s32 v1, v4;
	_ =	sdelay $0x1  }
0x7b: {  	v3 =	vadd.s32 v1, v3;
	_ =	sdelay $0x2  }
0x7c: {  	[tilespmem:s14], [sflag:$0x1] =	stream.indirect_vreg.gather [hbm4b:s1+s3], $0x80, v4, vm0, $0xb8;
	[tilespmem:$0x8080] =	vst v63  }
0x7d: {  	_ = 	snop  }
0x7e: {  	[tilespmem:s15], [sflag:$0x1] =	stream.indirect_vreg.gather [hbm4b:s1+s3], $0x80, v3, vm0, $0xb8;
	[tilespmem:$0x8080] =	vst v63  }
0x7f: {  	v3 =	vld [tilespmem:$0x10];
	_ =	sdelay $0x4  }
0x80: {  	v41 =	vshll.u32 v3, $0x1  }
0x81: {  	v3 =	vand.u32 $0x7, v3;
	v4 =	vand.u32 $0xFFFFFFF0, v41  }
0x82: {  	v3 =	vor.u32 v3, v4  }
0x83: {  	v4 =	vperm.xlane v3, v0;
	_ =	sdelay $0x1  }
0x84: {  	v3 =	vperm.xlane v3, v2;
	v4 =	vadd.s32 v1, v4;
	_ =	sdelay $0x1  }
0x85: {  	v3 =	vadd.s32 v1, v3;
	_ =	sdelay $0x2  }
0x86: {  	[tilespmem:s16], [sflag:$0x1] =	stream.indirect_vreg.gather [hbm4b:s1+s3], $0x80, v4, vm0, $0xb8;
	[tilespmem:$0x8080] =	vst v63  }
0x87: {  	_ = 	snop  }
0x88: {  	[tilespmem:s17], [sflag:$0x1] =	stream.indirect_vreg.gather [hbm4b:s1+s3], $0x80, v3, vm0, $0xb8;
	[tilespmem:$0x8080] =	vst v63  }
0x89: {  	v3 =	vld [tilespmem:$0x20];
	_ =	sdelay $0x4  }
0x8a: {  	v42 =	vshll.u32 v3, $0x1  }
0x8b: {  	v3 =	vand.u32 $0x7, v3;
	v4 =	vand.u32 $0xFFFFFFF0, v42  }
0x8c: {  	v3 =	vor.u32 v3, v4  }
0x8d: {  	v4 =	vperm.xlane v3, v0;
	_ =	sdelay $0x1  }
0x8e: {  	v3 =	vperm.xlane v3, v2;
	v4 =	vadd.s32 v1, v4;
	_ =	sdelay $0x1  }
0x8f: {  	v3 =	vadd.s32 v1, v3;
	_ =	sdelay $0x2  }
0x90: {  	[tilespmem:s18], [sflag:$0x1] =	stream.indirect_vreg.gather [hbm4b:s1+s3], $0x80, v4, vm0, $0xb8;
	[tilespmem:$0x8080] =	vst v63  }
0x91: {  	_ = 	snop  }
0x92: {  	[tilespmem:s19], [sflag:$0x1] =	stream.indirect_vreg.gather [hbm4b:s1+s3], $0x80, v3, vm0, $0xb8;
	[tilespmem:$0x8080] =	vst v63  }
0x93: {  	v3 =	vld [tilespmem:$0x30];
	_ =	sdelay $0x4  }
0x94: {  	v43 =	vshll.u32 v3, $0x1  }
0x95: {  	v3 =	vand.u32 $0x7, v3;
	v4 =	vand.u32 $0xFFFFFFF0, v43  }
0x96: {  	v3 =	vor.u32 v3, v4  }
0x97: {  	v4 =	vperm.xlane v3, v0;
	_ =	sdelay $0x1  }
0x98: {  	v3 =	vperm.xlane v3, v2;
	v4 =	vadd.s32 v1, v4;
	_ =	sdelay $0x1  }
0x99: {  	v3 =	vadd.s32 v1, v3;
	_ =	sdelay $0x2  }
0x9a: {  	[tilespmem:s20], [sflag:$0x1] =	stream.indirect_vreg.gather [hbm4b:s1+s3], $0x80, v4, vm0, $0xb8;
	[tilespmem:$0x8080] =	vst v63  }
0x9b: {  	_ = 	snop  }
0x9c: {  	[tilespmem:s21], [sflag:$0x1] =	stream.indirect_vreg.gather [hbm4b:s1+s3], $0x80, v3, vm0, $0xb8;
	[tilespmem:$0x8080] =	vst v63  }
0x9d: {  	v3 =	vld [tilespmem:$0x40];
	_ =	sdelay $0x4  }
0x9e: {  	v44 =	vshll.u32 v3, $0x1  }
0x9f: {  	v3 =	vand.u32 $0x7, v3;
	v4 =	vand.u32 $0xFFFFFFF0, v44  }
0xa0: {  	v3 =	vor.u32 v3, v4  }
0xa1: {  	v4 =	vperm.xlane v3, v0;
	_ =	sdelay $0x1  }
0xa2: {  	v3 =	vperm.xlane v3, v2;
	v4 =	vadd.s32 v1, v4;
	_ =	sdelay $0x1  }
0xa3: {  	v3 =	vadd.s32 v1, v3;
	_ =	sdelay $0x2  }
0xa4: {  	[tilespmem:s22], [sflag:$0x1] =	stream.indirect_vreg.gather [hbm4b:s1+s3], $0x80, v4, vm0, $0xb8;
	[tilespmem:$0x8080] =	vst v63  }
0xa5: {  	_ = 	snop  }
0xa6: {  	[tilespmem:s23], [sflag:$0x1] =	stream.indirect_vreg.gather [hbm4b:s1+s3], $0x80, v3, vm0, $0xb8;
	[tilespmem:$0x8080] =	vst v63  }
0xa7: {  	v3 =	vld [tilespmem:$0x50];
	_ =	sdelay $0x4  }
0xa8: {  	v45 =	vshll.u32 v3, $0x1  }
0xa9: {  	v3 =	vand.u32 $0x7, v3;
	v4 =	vand.u32 $0xFFFFFFF0, v45  }
0xaa: {  	v3 =	vor.u32 v3, v4  }
0xab: {  	v4 =	vperm.xlane v3, v0;
	_ =	sdelay $0x1  }
0xac: {  	v3 =	vperm.xlane v3, v2;
	v4 =	vadd.s32 v1, v4;
	_ =	sdelay $0x1  }
0xad: {  	v3 =	vadd.s32 v1, v3;
	_ =	sdelay $0x2  }
0xae: {  	[tilespmem:s24], [sflag:$0x1] =	stream.indirect_vreg.gather [hbm4b:s1+s3], $0x80, v4, vm0, $0xb8;
	[tilespmem:$0x8080] =	vst v63  }
0xaf: {  	_ = 	snop  }
0xb0: {  	[tilespmem:s25], [sflag:$0x1] =	stream.indirect_vreg.gather [hbm4b:s1+s3], $0x80, v3, vm0, $0xb8;
	[tilespmem:$0x8080] =	vst v63  }
0xb1: {  	v3 =	vld [tilespmem:$0x60];
	_ =	sdelay $0x4  }
0xb2: {  	v46 =	vshll.u32 v3, $0x1  }
0xb3: {  	v3 =	vand.u32 $0x7, v3;
	v4 =	vand.u32 $0xFFFFFFF0, v46  }
0xb4: {  	v3 =	vor.u32 v3, v4  }
0xb5: {  	v4 =	vperm.xlane v3, v0;
	_ =	sdelay $0x1  }
0xb6: {  	v3 =	vperm.xlane v3, v2;
	v4 =	vadd.s32 v1, v4;
	_ =	sdelay $0x1  }
0xb7: {  	v3 =	vadd.s32 v1, v3;
	_ =	sdelay $0x2  }
0xb8: {  	[tilespmem:s26], [sflag:$0x1] =	stream.indirect_vreg.gather [hbm4b:s1+s3], $0x80, v4, vm0, $0xb8;
	[tilespmem:$0x8080] =	vst v63  }
0xb9: {  	_ = 	snop  }
0xba: {  	[tilespmem:s28], [sflag:$0x1] =	stream.indirect_vreg.gather [hbm4b:s1+s3], $0x80, v3, vm0, $0xb8;
	[tilespmem:$0x8080] =	vst v63  }
0xbb: {  	v3 =	vld [tilespmem:$0x70];
	_ =	sdelay $0x4  }
0xbc: {  	v47 =	vshll.u32 v3, $0x1  }
0xbd: {  	v3 =	vand.u32 $0x7, v3;
	v4 =	vand.u32 $0xFFFFFFF0, v47  }
0xbe: {  	v3 =	vor.u32 v3, v4  }
0xbf: {  	v4 =	vperm.xlane v3, v0;
	_ =	sdelay $0x1  }
0xc0: {  	v3 =	vperm.xlane v3, v2;
	v4 =	vadd.s32 v1, v4;
	_ =	sdelay $0x1  }
0xc1: {  	v3 =	vadd.s32 v1, v3;
	_ =	sdelay $0x2  }
0xc2: {  	[tilespmem:s29], [sflag:$0x1] =	stream.indirect_vreg.gather [hbm4b:s1+s3], $0x80, v4, vm0, $0xb8;
	[tilespmem:$0x8080] =	vst v63  }
0xc3: {  	_ = 	snop  }
0xc4: {  	[tilespmem:s30], [sflag:$0x1] =	stream.indirect_vreg.gather [hbm4b:s1+s3], $0x80, v3, vm0, $0xb8;
	[tilespmem:$0x8080] =	vst v63  }
0xc5: {  	_ =	swait.ge [sflag:s31], $0x8000  }
0xc6: {  	[sflag:s31] =	ssyncset.done $0x0  }
0xc7: {  	[sflag:s31] =	ssyncadd.s32 $0xFFFF8000  }
0xc8: {  	[hbm4b:s7+s3] =	stream.linear.scatter [tilespmem:s14], [sflag:$0x2], $0x8000, $0x38;
	[tilespmem:$0x8080] =	vst v63  }
0xc9: {  	_ =	swait.ge [sflag:s13], $0x8000  }
0xca: {  	[sflag:s13] =	ssyncset.done $0x0  }
0xcb: {  	[sflag:s13] =	ssyncadd.s32 $0xFFFF8000  }
0xcc: {  	[tilespmem:s3], [sflag:$0x2] =	stream.linear.gather [hbm4b:s8+s3], $0x80, $0x38;
	[tilespmem:$0x8080] =	vst v63  }
0xcd: {  	_ =	swait.ge [sflag:s13], $0x80  }
0xce: {  	[sflag:s13] =	ssyncset.done $0x0  }
0xcf: {  	[sflag:s13] =	ssyncadd.s32 $0xFFFFFF80  }
0xd0: {  	v3 =	vld [tilespmem:$0x0];
	_ =	sdelay $0x4  }
0xd1: {  	v48 =	vshll.u32 v3, $0x1  }
0xd2: {  	v3 =	vand.u32 $0x7, v3;
	v4 =	vand.u32 $0xFFFFFFF0, v48  }
0xd3: {  	v3 =	vor.u32 v3, v4  }
0xd4: {  	v4 =	vperm.xlane v3, v0;
	_ =	sdelay $0x1  }
0xd5: {  	v3 =	vperm.xlane v3, v2;
	v4 =	vadd.s32 v1, v4;
	_ =	sdelay $0x1  }
0xd6: {  	v3 =	vadd.s32 v1, v3;
	_ =	sdelay $0x2  }
0xd7: {  	[tilespmem:s14], [sflag:$0x1] =	stream.indirect_vreg.gather [hbm4b:s1+s3], $0x80, v4, vm0, $0xb8;
	[tilespmem:$0x8080] =	vst v63  }
0xd8: {  	_ = 	snop  }
0xd9: {  	[tilespmem:s15], [sflag:$0x1] =	stream.indirect_vreg.gather [hbm4b:s1+s3], $0x80, v3, vm0, $0xb8;
	[tilespmem:$0x8080] =	vst v63  }
0xda: {  	v3 =	vld [tilespmem:$0x10];
	_ =	sdelay $0x4  }
0xdb: {  	v49 =	vshll.u32 v3, $0x1  }
0xdc: {  	v3 =	vand.u32 $0x7, v3;
	v4 =	vand.u32 $0xFFFFFFF0, v49  }
0xdd: {  	v3 =	vor.u32 v3, v4  }
0xde: {  	v4 =	vperm.xlane v3, v0;
	_ =	sdelay $0x1  }
0xdf: {  	v3 =	vperm.xlane v3, v2;
	v4 =	vadd.s32 v1, v4;
	_ =	sdelay $0x1  }
0xe0: {  	v3 =	vadd.s32 v1, v3;
	_ =	sdelay $0x2  }
0xe1: {  	[tilespmem:s16], [sflag:$0x1] =	stream.indirect_vreg.gather [hbm4b:s1+s3], $0x80, v4, vm0, $0xb8;
	[tilespmem:$0x8080] =	vst v63  }
0xe2: {  	_ = 	snop  }
0xe3: {  	[tilespmem:s17], [sflag:$0x1] =	stream.indirect_vreg.gather [hbm4b:s1+s3], $0x80, v3, vm0, $0xb8;
	[tilespmem:$0x8080] =	vst v63  }
0xe4: {  	v3 =	vld [tilespmem:$0x20];
	_ =	sdelay $0x4  }
0xe5: {  	v50 =	vshll.u32 v3, $0x1  }
0xe6: {  	v3 =	vand.u32 $0x7, v3;
	v4 =	vand.u32 $0xFFFFFFF0, v50  }
0xe7: {  	v3 =	vor.u32 v3, v4  }
0xe8: {  	v4 =	vperm.xlane v3, v0;
	_ =	sdelay $0x1  }
0xe9: {  	v3 =	vperm.xlane v3, v2;
	v4 =	vadd.s32 v1, v4;
	_ =	sdelay $0x1  }
0xea: {  	v3 =	vadd.s32 v1, v3;
	_ =	sdelay $0x2  }
0xeb: {  	[tilespmem:s18], [sflag:$0x1] =	stream.indirect_vreg.gather [hbm4b:s1+s3], $0x80, v4, vm0, $0xb8;
	[tilespmem:$0x8080] =	vst v63  }
0xec: {  	_ = 	snop  }
0xed: {  	[tilespmem:s19], [sflag:$0x1] =	stream.indirect_vreg.gather [hbm4b:s1+s3], $0x80, v3, vm0, $0xb8;
	[tilespmem:$0x8080] =	vst v63  }
0xee: {  	v3 =	vld [tilespmem:$0x30];
	_ =	sdelay $0x4  }
0xef: {  	v51 =	vshll.u32 v3, $0x1  }
0xf0: {  	v3 =	vand.u32 $0x7, v3;
	v4 =	vand.u32 $0xFFFFFFF0, v51  }
0xf1: {  	v3 =	vor.u32 v3, v4  }
0xf2: {  	v4 =	vperm.xlane v3, v0;
	_ =	sdelay $0x1  }
0xf3: {  	v3 =	vperm.xlane v3, v2;
	v4 =	vadd.s32 v1, v4;
	_ =	sdelay $0x1  }
0xf4: {  	v3 =	vadd.s32 v1, v3;
	_ =	sdelay $0x2  }
0xf5: {  	[tilespmem:s20], [sflag:$0x1] =	stream.indirect_vreg.gather [hbm4b:s1+s3], $0x80, v4, vm0, $0xb8;
	[tilespmem:$0x8080] =	vst v63  }
0xf6: {  	_ = 	snop  }
0xf7: {  	[tilespmem:s21], [sflag:$0x1] =	stream.indirect_vreg.gather [hbm4b:s1+s3], $0x80, v3, vm0, $0xb8;
	[tilespmem:$0x8080] =	vst v63  }
0xf8: {  	v3 =	vld [tilespmem:$0x40];
	_ =	sdelay $0x4  }
0xf9: {  	v52 =	vshll.u32 v3, $0x1  }
0xfa: {  	v3 =	vand.u32 $0x7, v3;
	v4 =	vand.u32 $0xFFFFFFF0, v52  }
0xfb: {  	v3 =	vor.u32 v3, v4  }
0xfc: {  	v4 =	vperm.xlane v3, v0;
	_ =	sdelay $0x1  }
0xfd: {  	v3 =	vperm.xlane v3, v2;
	v4 =	vadd.s32 v1, v4;
	_ =	sdelay $0x1  }
0xfe: {  	v3 =	vadd.s32 v1, v3;
	_ =	sdelay $0x2  }
0xff: {  	[tilespmem:s22], [sflag:$0x1] =	stream.indirect_vreg.gather [hbm4b:s1+s3], $0x80, v4, vm0, $0xb8;
	[tilespmem:$0x8080] =	vst v63  }
0x100: {  	_ = 	snop  }
0x101: {  	[tilespmem:s23], [sflag:$0x1] =	stream.indirect_vreg.gather [hbm4b:s1+s3], $0x80, v3, vm0, $0xb8;
	[tilespmem:$0x8080] =	vst v63  }
0x102: {  	v3 =	vld [tilespmem:$0x50];
	_ =	sdelay $0x4  }
0x103: {  	v53 =	vshll.u32 v3, $0x1  }
0x104: {  	v3 =	vand.u32 $0x7, v3;
	v4 =	vand.u32 $0xFFFFFFF0, v53  }
0x105: {  	v3 =	vor.u32 v3, v4  }
0x106: {  	v4 =	vperm.xlane v3, v0;
	_ =	sdelay $0x1  }
0x107: {  	v3 =	vperm.xlane v3, v2;
	v4 =	vadd.s32 v1, v4;
	_ =	sdelay $0x1  }
0x108: {  	v3 =	vadd.s32 v1, v3;
	_ =	sdelay $0x2  }
0x109: {  	[tilespmem:s24], [sflag:$0x1] =	stream.indirect_vreg.gather [hbm4b:s1+s3], $0x80, v4, vm0, $0xb8;
	[tilespmem:$0x8080] =	vst v63  }
0x10a: {  	_ = 	snop  }
0x10b: {  	[tilespmem:s25], [sflag:$0x1] =	stream.indirect_vreg.gather [hbm4b:s1+s3], $0x80, v3, vm0, $0xb8;
	[tilespmem:$0x8080] =	vst v63  }
0x10c: {  	v3 =	vld [tilespmem:$0x60];
	_ =	sdelay $0x4  }
0x10d: {  	v54 =	vshll.u32 v3, $0x1  }
0x10e: {  	v3 =	vand.u32 $0x7, v3;
	v4 =	vand.u32 $0xFFFFFFF0, v54  }
0x10f: {  	v3 =	vor.u32 v3, v4  }
0x110: {  	v4 =	vperm.xlane v3, v0;
	_ =	sdelay $0x1  }
0x111: {  	v3 =	vperm.xlane v3, v2;
	v4 =	vadd.s32 v1, v4;
	_ =	sdelay $0x1  }
0x112: {  	v3 =	vadd.s32 v1, v3;
	_ =	sdelay $0x2  }
0x113: {  	[tilespmem:s26], [sflag:$0x1] =	stream.indirect_vreg.gather [hbm4b:s1+s3], $0x80, v4, vm0, $0xb8;
	[tilespmem:$0x8080] =	vst v63  }
0x114: {  	_ = 	snop  }
0x115: {  	[tilespmem:s28], [sflag:$0x1] =	stream.indirect_vreg.gather [hbm4b:s1+s3], $0x80, v3, vm0, $0xb8;
	[tilespmem:$0x8080] =	vst v63  }
0x116: {  	v3 =	vld [tilespmem:$0x70];
	_ =	sdelay $0x4  }
0x117: {  	v55 =	vshll.u32 v3, $0x1  }
0x118: {  	v3 =	vand.u32 $0x7, v3;
	v4 =	vand.u32 $0xFFFFFFF0, v55  }
0x119: {  	v3 =	vor.u32 v3, v4  }
0x11a: {  	v4 =	vperm.xlane v3, v0;
	_ =	sdelay $0x1  }
0x11b: {  	v3 =	vperm.xlane v3, v2;
	v4 =	vadd.s32 v1, v4;
	_ =	sdelay $0x1  }
0x11c: {  	v3 =	vadd.s32 v1, v3;
	_ =	sdelay $0x2  }
0x11d: {  	[tilespmem:s29], [sflag:$0x1] =	stream.indirect_vreg.gather [hbm4b:s1+s3], $0x80, v4, vm0, $0xb8;
	[tilespmem:$0x8080] =	vst v63  }
0x11e: {  	_ = 	snop  }
0x11f: {  	[tilespmem:s30], [sflag:$0x1] =	stream.indirect_vreg.gather [hbm4b:s1+s3], $0x80, v3, vm0, $0xb8;
	[tilespmem:$0x8080] =	vst v63  }
0x120: {  	_ =	swait.ge [sflag:s31], $0x8000  }
0x121: {  	[sflag:s31] =	ssyncset.done $0x0  }
0x122: {  	[sflag:s31] =	ssyncadd.s32 $0xFFFF8000  }
0x123: {  	[hbm4b:s9+s3] =	stream.linear.scatter [tilespmem:s14], [sflag:$0x2], $0x8000, $0x38;
	[tilespmem:$0x8080] =	vst v63  }
0x124: {  	_ =	swait.ge [sflag:s13], $0x8000  }
0x125: {  	[sflag:s13] =	ssyncset.done $0x0  }
0x126: {  	[sflag:s13] =	ssyncadd.s32 $0xFFFF8000  }
0x127: {  	[tilespmem:s3], [sflag:$0x2] =	stream.linear.gather [hbm4b:s10+s3], $0x80, $0x38;
	[tilespmem:$0x8080] =	vst v63  }
0x128: {  	_ =	swait.ge [sflag:s13], $0x80  }
0x129: {  	[sflag:s13] =	ssyncset.done $0x0  }
0x12a: {  	[sflag:s13] =	ssyncadd.s32 $0xFFFFFF80  }
0x12b: {  	v3 =	vld [tilespmem:$0x0];
	_ =	sdelay $0x4  }
0x12c: {  	v56 =	vshll.u32 v3, $0x1  }
0x12d: {  	v3 =	vand.u32 $0x7, v3;
	v4 =	vand.u32 $0xFFFFFFF0, v56  }
0x12e: {  	v3 =	vor.u32 v3, v4  }
0x12f: {  	v4 =	vperm.xlane v3, v0;
	_ =	sdelay $0x1  }
0x130: {  	v3 =	vperm.xlane v3, v2;
	v4 =	vadd.s32 v1, v4;
	_ =	sdelay $0x1  }
0x131: {  	v3 =	vadd.s32 v1, v3;
	_ =	sdelay $0x2  }
0x132: {  	[tilespmem:s14], [sflag:$0x1] =	stream.indirect_vreg.gather [hbm4b:s1+s3], $0x80, v4, vm0, $0xb8;
	[tilespmem:$0x8080] =	vst v63  }
0x133: {  	_ = 	snop  }
0x134: {  	[tilespmem:s15], [sflag:$0x1] =	stream.indirect_vreg.gather [hbm4b:s1+s3], $0x80, v3, vm0, $0xb8;
	[tilespmem:$0x8080] =	vst v63  }
0x135: {  	v3 =	vld [tilespmem:$0x10];
	_ =	sdelay $0x4  }
0x136: {  	v57 =	vshll.u32 v3, $0x1  }
0x137: {  	v3 =	vand.u32 $0x7, v3;
	v4 =	vand.u32 $0xFFFFFFF0, v57  }
0x138: {  	v3 =	vor.u32 v3, v4  }
0x139: {  	v4 =	vperm.xlane v3, v0;
	_ =	sdelay $0x1  }
0x13a: {  	v3 =	vperm.xlane v3, v2;
	v4 =	vadd.s32 v1, v4;
	_ =	sdelay $0x1  }
0x13b: {  	v3 =	vadd.s32 v1, v3;
	_ =	sdelay $0x2  }
0x13c: {  	[tilespmem:s16], [sflag:$0x1] =	stream.indirect_vreg.gather [hbm4b:s1+s3], $0x80, v4, vm0, $0xb8;
	[tilespmem:$0x8080] =	vst v63  }
0x13d: {  	_ = 	snop  }
0x13e: {  	[tilespmem:s17], [sflag:$0x1] =	stream.indirect_vreg.gather [hbm4b:s1+s3], $0x80, v3, vm0, $0xb8;
	[tilespmem:$0x8080] =	vst v63  }
0x13f: {  	v3 =	vld [tilespmem:$0x20];
	_ =	sdelay $0x4  }
0x140: {  	v58 =	vshll.u32 v3, $0x1  }
0x141: {  	v3 =	vand.u32 $0x7, v3;
	v4 =	vand.u32 $0xFFFFFFF0, v58  }
0x142: {  	v3 =	vor.u32 v3, v4  }
0x143: {  	v4 =	vperm.xlane v3, v0;
	_ =	sdelay $0x1  }
0x144: {  	v3 =	vperm.xlane v3, v2;
	v4 =	vadd.s32 v1, v4;
	_ =	sdelay $0x1  }
0x145: {  	v3 =	vadd.s32 v1, v3;
	_ =	sdelay $0x2  }
0x146: {  	[tilespmem:s18], [sflag:$0x1] =	stream.indirect_vreg.gather [hbm4b:s1+s3], $0x80, v4, vm0, $0xb8;
	[tilespmem:$0x8080] =	vst v63  }
0x147: {  	_ = 	snop  }
0x148: {  	[tilespmem:s19], [sflag:$0x1] =	stream.indirect_vreg.gather [hbm4b:s1+s3], $0x80, v3, vm0, $0xb8;
	[tilespmem:$0x8080] =	vst v63  }
0x149: {  	v3 =	vld [tilespmem:$0x30];
	_ =	sdelay $0x4  }
0x14a: {  	v59 =	vshll.u32 v3, $0x1  }
0x14b: {  	v3 =	vand.u32 $0x7, v3;
	v4 =	vand.u32 $0xFFFFFFF0, v59  }
0x14c: {  	v3 =	vor.u32 v3, v4  }
0x14d: {  	v4 =	vperm.xlane v3, v0;
	_ =	sdelay $0x1  }
0x14e: {  	v3 =	vperm.xlane v3, v2;
	v4 =	vadd.s32 v1, v4;
	_ =	sdelay $0x1  }
0x14f: {  	v3 =	vadd.s32 v1, v3;
	_ =	sdelay $0x2  }
0x150: {  	[tilespmem:s20], [sflag:$0x1] =	stream.indirect_vreg.gather [hbm4b:s1+s3], $0x80, v4, vm0, $0xb8;
	[tilespmem:$0x8080] =	vst v63  }
0x151: {  	_ = 	snop  }
0x152: {  	[tilespmem:s21], [sflag:$0x1] =	stream.indirect_vreg.gather [hbm4b:s1+s3], $0x80, v3, vm0, $0xb8;
	[tilespmem:$0x8080] =	vst v63  }
0x153: {  	v3 =	vld [tilespmem:$0x40];
	_ =	sdelay $0x4  }
0x154: {  	v60 =	vshll.u32 v3, $0x1  }
0x155: {  	v3 =	vand.u32 $0x7, v3;
	v4 =	vand.u32 $0xFFFFFFF0, v60  }
0x156: {  	v3 =	vor.u32 v3, v4  }
0x157: {  	v4 =	vperm.xlane v3, v0;
	_ =	sdelay $0x1  }
0x158: {  	v3 =	vperm.xlane v3, v2;
	v4 =	vadd.s32 v1, v4;
	_ =	sdelay $0x1  }
0x159: {  	v3 =	vadd.s32 v1, v3;
	_ =	sdelay $0x2  }
0x15a: {  	[tilespmem:s22], [sflag:$0x1] =	stream.indirect_vreg.gather [hbm4b:s1+s3], $0x80, v4, vm0, $0xb8;
	[tilespmem:$0x8080] =	vst v63  }
0x15b: {  	_ = 	snop  }
0x15c: {  	[tilespmem:s23], [sflag:$0x1] =	stream.indirect_vreg.gather [hbm4b:s1+s3], $0x80, v3, vm0, $0xb8;
	[tilespmem:$0x8080] =	vst v63  }
0x15d: {  	v3 =	vld [tilespmem:$0x50];
	_ =	sdelay $0x4  }
0x15e: {  	v61 =	vshll.u32 v3, $0x1  }
0x15f: {  	v3 =	vand.u32 $0x7, v3;
	v4 =	vand.u32 $0xFFFFFFF0, v61  }
0x160: {  	v3 =	vor.u32 v3, v4  }
0x161: {  	v4 =	vperm.xlane v3, v0;
	_ =	sdelay $0x1  }
0x162: {  	v3 =	vperm.xlane v3, v2;
	v4 =	vadd.s32 v1, v4;
	_ =	sdelay $0x1  }
0x163: {  	v3 =	vadd.s32 v1, v3;
	_ =	sdelay $0x2  }
0x164: {  	[tilespmem:s24], [sflag:$0x1] =	stream.indirect_vreg.gather [hbm4b:s1+s3], $0x80, v4, vm0, $0xb8;
	[tilespmem:$0x8080] =	vst v63  }
0x165: {  	_ = 	snop  }
0x166: {  	[tilespmem:s25], [sflag:$0x1] =	stream.indirect_vreg.gather [hbm4b:s1+s3], $0x80, v3, vm0, $0xb8;
	[tilespmem:$0x8080] =	vst v63  }
0x167: {  	v3 =	vld [tilespmem:$0x60];
	_ =	sdelay $0x4  }
0x168: {  	v62 =	vshll.u32 v3, $0x1  }
0x169: {  	v3 =	vand.u32 $0x7, v3;
	v4 =	vand.u32 $0xFFFFFFF0, v62  }
0x16a: {  	v3 =	vor.u32 v3, v4  }
0x16b: {  	v4 =	vperm.xlane v3, v0;
	_ =	sdelay $0x1  }
0x16c: {  	v3 =	vperm.xlane v3, v2;
	v4 =	vadd.s32 v1, v4;
	_ =	sdelay $0x1  }
0x16d: {  	v3 =	vadd.s32 v1, v3;
	_ =	sdelay $0x2  }
0x16e: {  	[tilespmem:s26], [sflag:$0x1] =	stream.indirect_vreg.gather [hbm4b:s1+s3], $0x80, v4, vm0, $0xb8;
	[tilespmem:$0x8080] =	vst v63  }
0x16f: {  	_ = 	snop  }
0x170: {  	[tilespmem:s28], [sflag:$0x1] =	stream.indirect_vreg.gather [hbm4b:s1+s3], $0x80, v3, vm0, $0xb8;
	[tilespmem:$0x8080] =	vst v63  }
0x171: {  	v3 =	vld [tilespmem:$0x70];
	_ =	sdelay $0x4  }
0x172: {  	v63 =	vshll.u32 v3, $0x1  }
0x173: {  	v3 =	vand.u32 $0x7, v3;
	v4 =	vand.u32 $0xFFFFFFF0, v63  }
0x174: {  	v3 =	vor.u32 v3, v4  }
0x175: {  	v4 =	vperm.xlane v3, v0;
	_ =	sdelay $0x1  }
0x176: {  	v3 =	vperm.xlane v3, v2;
	v4 =	vadd.s32 v1, v4;
	_ =	sdelay $0x1  }
0x177: {  	v3 =	vadd.s32 v1, v3;
	_ =	sdelay $0x2  }
0x178: {  	[tilespmem:s29], [sflag:$0x1] =	stream.indirect_vreg.gather [hbm4b:s1+s3], $0x80, v4, vm0, $0xb8;
	[tilespmem:$0x8080] =	vst v63  }
0x179: {  	_ = 	snop  }
0x17a: {  	[tilespmem:s30], [sflag:$0x1] =	stream.indirect_vreg.gather [hbm4b:s1+s3], $0x80, v3, vm0, $0xb8;
	[tilespmem:$0x8080] =	vst v63  }
0x17b: {  	_ =	swait.ge [sflag:s31], $0x8000  }
0x17c: {  	p0 =	sne.s32 s12, $0x1;
	[sflag:s31] =	ssyncset.done $0x0  }
.Ltmp0:
0x17d: {  	[sflag:s31] =	ssyncadd.s32 $0xFFFF8000;
	(pc) =	sbr.rel @p0 .LBB2_1-.Ltmp0, $4  }
0x17e: {  	[hbm4b:s11+s3] =	stream.linear.scatter [tilespmem:s14], [sflag:$0x2], $0x8000, $0x38;
	[tilespmem:$0x8080] =	vst v63  }
0x17f: {  	_ =	swait.ge [sflag:s13], $0x8000  }
0x180: {  	[sflag:s13] =	ssyncset.done $0x0  }
0x181: {  	s12 =	sadd.s32 $0xFFFFFFFF, s12;
	[sflag:s13] =	ssyncadd.s32 $0xFFFF8000  }
0x182: {  	_ =	sfence.sel $0x180000  }
0x183: {  	[bflag:$0x0] =	sbarrier.arrive $0xFFFF  }
0x184: {  	p0 =	sne.s32 s2, $0x0;
	_ =	strace $0x90000047  }
0x185: {  	s0 =	sadd.s32 @!p0 $0x100000, s0;
	[bflag:$0x2] =	sbarrier.arrive $0xFFFF  }
0x186: {  	[sflag:s0] =	ssyncadd.tile.s32 @!p0 $0x1;
	_ =	shalt  }
.Lfunc_end2:
_tile_overlayer_lowered:
.L_overlay_start_2:
0x187: {  	(tag) =	ssettag $0x2  }
0x188: {  	s0 =	rddreg [dreg:$0x0];
	s2 =	stileid.u32  }
0x189: {  	s1 =	rddreg [dreg:$0x1];
	p0 =	sne.s32 s2, $0x0  }
0x18a: {  	s3 =	rddreg [dreg:$0x2];
	[bflag:$0x3] =	sbarrier.arrive $0xFFFF;
	s2 =	simm.s32 @!p0 $0x1C02  }
0x18b: {  	[timem:s3], [sflag:s2] =	dma.local @!p0 [hbm:s0], s1  }
0x18c: {  	s0 =	simm.s32 @!p0 $0x2  }
0x18d: {  	_ =	swait.ge @!p0 [sflag:s0], s1  }
0x18e: {  	s1 =	ssub.s32 @!p0 $0x0, s1;
	[sflag:s0] =	ssyncset.done @!p0 $0x0  }
0x18f: {  	[sflag:s0] =	ssyncadd.s32 @!p0 s1  }
0x190: {  	[bflag:$0x3] =	sbarrier.arrive $0xFFFF  }
0x191: {  	_ =	shalt  }

</sc_bundles>
